<compile_context>
chip_gen: v7x
topology: tpu7x:2x2x1
jax: 0.10.2.dev20260603
libtpu: 0.0.44.dev20260713+nightly
codegen_flags: <defaults>
</compile_context>

<pallas_src>
import functools

import jax
import jax.numpy as jnp
from jax import lax
from jax.experimental import pallas as pl
from jax.experimental.pallas import tpu as pltpu
from jax.experimental.pallas import tpu_sc as plsc

DIM = 768
E = 64
K = 8
BT = 4096

NS = 16


def _tc_body(x_ref, w_ref, b_ref, wout_ref, iout_ref, p_ref, *, t_total, nsteps):
    step = pl.program_id(0)

    xb = x_ref[...]
    w = w_ref[...]
    scoresT = lax.dot_general(
        w, xb, (((1,), (1,)), ((), ())), preferred_element_type=jnp.float32)

    m = jnp.max(scoresT, axis=0, keepdims=True)
    ex = jnp.exp(scoresT - m)
    probsT = ex / jnp.sum(ex, axis=0, keepdims=True)

    biasedT = probsT + b_ref[...]

    iotaF = lax.broadcasted_iota(jnp.int32, (E, BT), 0).astype(jnp.float32)
    work = biasedT
    wcols = []
    icols = []
    for _ in range(K):
        cur = jnp.max(work, axis=0, keepdims=True)
        t = jnp.where(work == cur, iotaF, float(E))
        idxF = jnp.min(t, axis=0, keepdims=True)
        onehot = (iotaF == idxF).astype(jnp.float32)
        wcols.append(jnp.sum(onehot * probsT, axis=0, keepdims=True))
        icols.append(idxF)
        work = work - onehot * 3.0e38

    wT = jnp.concatenate(wcols, axis=0)
    iT = jnp.concatenate(icols, axis=0).astype(jnp.int32)
    wout_ref[...] = wT.T
    iout_ref[...] = iT.T

    psum = jnp.sum(probsT, axis=1)

    @pl.when(step == 0)
    def _init():
        p_ref[...] = jnp.zeros_like(p_ref)

    p_ref[...] += psum[None, :]

    @pl.when(step == nsteps - 1)
    def _fin():
        p_ref[...] = p_ref[...] / t_total


def _tc_route(x, W, b2, t_total):
    nsteps = t_total // BT
    grid = (nsteps,)
    out_shapes = (
        jax.ShapeDtypeStruct((t_total, K), jnp.float32),
        jax.ShapeDtypeStruct((t_total, K), jnp.int32),
        jax.ShapeDtypeStruct((1, E), jnp.float32),
    )
    in_specs = [
        pl.BlockSpec((BT, DIM), lambda i: (i, 0)),
        pl.BlockSpec((E, DIM), lambda i: (0, 0)),
        pl.BlockSpec((E, 1), lambda i: (0, 0)),
    ]
    out_specs = (
        pl.BlockSpec((BT, K), lambda i: (i, 0)),
        pl.BlockSpec((BT, K), lambda i: (i, 0)),
        pl.BlockSpec((1, E), lambda i: (0, 0)),
    )
    return pl.pallas_call(
        functools.partial(_tc_body, t_total=t_total, nsteps=nsteps),
        grid=grid,
        in_specs=in_specs,
        out_specs=out_specs,
        out_shape=out_shapes,
    )(x, W, b2)


def _make_sc_bincount(chunk, scale):
    mesh = plsc.VectorSubcoreMesh(
        core_axis_name="c", subcore_axis_name="s", num_cores=1)

    @functools.partial(
        pl.kernel,
        out_type=jax.ShapeDtypeStruct((E,), jnp.float32),
        mesh=mesh,
        scratch_types=[
            pltpu.VMEM((chunk,), jnp.int32),
            pltpu.VMEM((E,), jnp.float32),
            pltpu.VMEM((NS * E,), jnp.float32),
            pltpu.VMEM_SHARED((NS * E,), jnp.float32),
        ],
        compiler_params=pltpu.CompilerParams(needs_layout_passes=False),
    )
    def sc_bincount(idx_hbm, out_hbm, idx_v, cnt_v, sums_v, shared):
        sid = lax.axis_index("s")
        base = sid * chunk
        pltpu.sync_copy(idx_hbm.at[pl.ds(base, chunk)], idx_v)
        for i in range(E // 16):
            cnt_v[pl.ds(i * 16, 16)] = jnp.zeros((16,), jnp.float32)
        ones = jnp.ones((16,), jnp.float32)

        @plsc.parallel_loop(0, chunk, step=16, unroll=8)
        def body(i):
            v = idx_v[pl.ds(i, 16)]
            plsc.addupdate_scatter(cnt_v, [v], ones)

        pltpu.sync_copy(cnt_v, shared.at[pl.ds(sid * E, E)])
        plsc.subcore_barrier()

        @pl.when(sid == 0)
        def _reduce():
            pltpu.sync_copy(shared, sums_v)
            for j in range(E // 16):
                acc = jnp.zeros((16,), jnp.float32)
                for r in range(NS):
                    acc = acc + sums_v[pl.ds(r * E + j * 16, 16)]
                cnt_v[pl.ds(j * 16, 16)] = acc * scale
            pltpu.sync_copy(cnt_v, out_hbm)

    return sc_bincount


def kernel(x, W, bias):
    t_total, dim = x.shape
    assert dim == DIM and W.shape == (E, DIM)
    b2 = bias.reshape(E, 1)

    weights, indices, eprobs = _tc_route(x, W, b2, t_total)

    total = t_total * K
    scale = E / (K * t_total + 1e-06)
    f_i = _make_sc_bincount(total // NS, scale)(indices.reshape(-1))

    return weights, indices, f_i, eprobs.reshape(E)

# --- scband reference (transcript-rebuilt; emitter-appended) ---
"""Pipeline reference for scband-gate-48223892799903 (READ-ONLY COPY).

The authoritative reference and input builder live on the scoring server;
editing this copy changes nothing except your own understanding.
"""

import jax, jax.numpy as jnp
import numpy as np

DIM = 768
N_EXPERTS = 64
TOPK = 8

def setup_inputs(seed: int = 0) -> dict:
    key = jax.random.key(seed)
    k1, k2, k3 = jax.random.split(key, 3)
    x = jax.random.normal(k1, (32768, DIM), dtype=jnp.float32)
    # nn.Linear(dim, n_routed_experts, bias=False) -> weight [E, dim]
    W = jax.random.normal(k2, (N_EXPERTS, DIM), dtype=jnp.float32) * 0.02
    # non-trainable bias added to scores before top-k (aux-loss-free balancing bias)
    bias = jax.random.normal(k3, (N_EXPERTS,), dtype=jnp.float32) * 0.01
    return {"x": x, "W": W, "bias": bias}

def reference(x, W, bias):
    # scores = self.weight(x)
    scores = x @ W.T
    # softmax in float32
    original_scores = jax.nn.softmax(scores.astype(jnp.float32), axis=-1)
    biased = original_scores + bias
    # indices = torch.topk(scores, topk, dim=-1)[1]
    _, indices = jax.lax.top_k(biased, TOPK)
    # weights = torch.gather(original_scores, 1, indices)
    weights = jnp.take_along_axis(original_scores, indices, axis=1)
    # expert_counts = torch.bincount(indices.flatten(), minlength=E)
    expert_counts = jnp.bincount(indices.reshape(-1), length=N_EXPERTS)
    expert_probs = original_scores.mean(axis=0)
    T = x.shape[0]
    f_i = expert_counts.astype(jnp.float32) * N_EXPERTS / (TOPK * T + 1e-06)
    return (weights.astype(x.dtype), indices, f_i, expert_probs)

if __name__ == "__main__":
    import jax
    _d = setup_inputs()
    print(jax.jit(kernel)(*tuple(_d.values())))

</pallas_src>

<mosaic_0001>
#map = affine_map<(d0, d1) -> (0)>
module attributes {stable_mosaic.version = 14 : i64} {
  func.func @sc_bincount(%arg0: i32, %arg1: i32, %arg2: memref<262144xi32, #tpu.memory_space<hbm>>, %arg3: memref<64xf32, #tpu.memory_space<hbm>>, %arg4: memref<16384xi32, #tpu.memory_space<vmem>>, %arg5: memref<64xf32, #tpu.memory_space<vmem>>, %arg6: memref<1024xf32, #tpu.memory_space<vmem>>, %arg7: memref<1024xf32, #tpu.memory_space<vmem_shared>>) attributes {dimension_semantics = [#tpu.dimension_semantics<core_parallel>, #tpu.dimension_semantics<subcore_parallel>], iteration_bounds = array<i64: 1, 16>, scalar_prefetch = 0 : i64, scratch_operands = 4 : i64, tpu.core_type = #tpu.core_type<sc_vector_subcore>, window_params = [{transform_indices = #map}, {transform_indices = #map}]} {
    %mul3A = arith.constant 16384 : i32
    %mul3A_0 = arith.muli %arg1, %mul3A : i32
    "tpu.region"() ({
      %run_scoped3A = tpu.sem_alloc : memref<!tpu.dma_semaphore, #tpu.memory_space<semaphore_mem>>
      %dma_start3A = tpu.memref_slice %arg2[%mul3A_0] : memref<262144xi32, #tpu.memory_space<hbm>> -> memref<16384xi32, #tpu.memory_space<hbm>>
      %dma_start3A_23 = tpu.memref_slice %arg2[%mul3A_0] : memref<262144xi32, #tpu.memory_space<hbm>> -> memref<16384xi32, #tpu.memory_space<hbm>>
      tpu.enqueue_dma source(%dma_start3A_23 : memref<16384xi32, #tpu.memory_space<hbm>>) target(%arg4 : memref<16384xi32, #tpu.memory_space<vmem>>) target_semaphore(%run_scoped3A : memref<!tpu.dma_semaphore, #tpu.memory_space<semaphore_mem>>)
      %dma_wait3A = tpu.memref_slice %arg2[%mul3A_0] : memref<262144xi32, #tpu.memory_space<hbm>> -> memref<16384xi32, #tpu.memory_space<hbm>>
      %dma_wait3A_24 = tpu.memref_slice %arg2[%mul3A_0] : memref<262144xi32, #tpu.memory_space<hbm>> -> memref<16384xi32, #tpu.memory_space<hbm>>
      tpu.wait_dma2 semaphore(%run_scoped3A : memref<!tpu.dma_semaphore, #tpu.memory_space<semaphore_mem>>) src(%dma_wait3A_24 : memref<16384xi32, #tpu.memory_space<hbm>>) dst(%arg4 : memref<16384xi32, #tpu.memory_space<vmem>>)
      tpu.yield
    }) : () -> ()
    %broadcast_in_dim3A = arith.constant 0.000000e+00 : f32
    %broadcast_in_dim3A_1 = vector.broadcast %broadcast_in_dim3A : f32 to vector<16xf32>
    %swap3A = arith.constant 0 : index
    %swap3A_2 = tpu.vector_load %arg5[%swap3A] {strides = array<i32>} : memref<64xf32, #tpu.memory_space<vmem>>, vector<16xf32>,
    tpu.vector_store %arg5[%swap3A], %broadcast_in_dim3A_1 {strides = array<i32>} : memref<64xf32, #tpu.memory_space<vmem>>, vector<16xf32>,
    %broadcast_in_dim3A_3 = arith.constant 0.000000e+00 : f32
    %broadcast_in_dim3A_4 = vector.broadcast %broadcast_in_dim3A_3 : f32 to vector<16xf32>
    %swap3A_5 = arith.constant 16 : index
    %swap3A_6 = tpu.vector_load %arg5[%swap3A_5] {strides = array<i32>} : memref<64xf32, #tpu.memory_space<vmem>>, vector<16xf32>,
    tpu.vector_store %arg5[%swap3A_5], %broadcast_in_dim3A_4 {strides = array<i32>} : memref<64xf32, #tpu.memory_space<vmem>>, vector<16xf32>,
    %broadcast_in_dim3A_7 = arith.constant 0.000000e+00 : f32
    %broadcast_in_dim3A_8 = vector.broadcast %broadcast_in_dim3A_7 : f32 to vector<16xf32>
    %swap3A_9 = arith.constant 32 : index
    %swap3A_10 = tpu.vector_load %arg5[%swap3A_9] {strides = array<i32>} : memref<64xf32, #tpu.memory_space<vmem>>, vector<16xf32>,
    tpu.vector_store %arg5[%swap3A_9], %broadcast_in_dim3A_8 {strides = array<i32>} : memref<64xf32, #tpu.memory_space<vmem>>, vector<16xf32>,
    %broadcast_in_dim3A_11 = arith.constant 0.000000e+00 : f32
    %broadcast_in_dim3A_12 = vector.broadcast %broadcast_in_dim3A_11 : f32 to vector<16xf32>
    %swap3A_13 = arith.constant 48 : index
    %swap3A_14 = tpu.vector_load %arg5[%swap3A_13] {strides = array<i32>} : memref<64xf32, #tpu.memory_space<vmem>>, vector<16xf32>,
    tpu.vector_store %arg5[%swap3A_13], %broadcast_in_dim3A_12 {strides = array<i32>} : memref<64xf32, #tpu.memory_space<vmem>>, vector<16xf32>,
    %broadcast_in_dim3A_15 = arith.constant 1.000000e+00 : f32
    %broadcast_in_dim3A_16 = vector.broadcast %broadcast_in_dim3A_15 : f32 to vector<16xf32>
    %parallel_loop3A = arith.constant 0 : i32
    %parallel_loop3A_17 = arith.constant 16384 : i32
    %parallel_loop3A_18 = arith.constant 16 : i32
    scf.for %parallel_loop3A_23 = %parallel_loop3A to %parallel_loop3A_17 step %parallel_loop3A_18  : i32 {
      %parallel_loop3A_24 = arith.index_cast %parallel_loop3A_23 : i32 to index
      %parallel_loop3A_25 = tpu.vector_load %arg4[%parallel_loop3A_24] {strides = array<i32>} : memref<16384xi32, #tpu.memory_space<vmem>>, vector<16xi32>,
      tpu.vector_store_idx %arg5[%parallel_loop3A_25], %broadcast_in_dim3A_16 {add = true} : memref<64xf32, #tpu.memory_space<vmem>>[vector<16xi32>], vector<16xf32>,
    } {sc.loop_unroll_factor = 8 : i64, sc.parallel_access}
    %mul3A_19 = arith.constant 64 : i32
    %mul3A_20 = arith.muli %arg1, %mul3A_19 : i32
    "tpu.region"() ({
      %run_scoped3A = tpu.sem_alloc : memref<!tpu.dma_semaphore, #tpu.memory_space<semaphore_mem>>
      %dma_start3A = tpu.memref_slice %arg7[%mul3A_20] : memref<1024xf32, #tpu.memory_space<vmem_shared>> -> memref<64xf32, #tpu.memory_space<vmem_shared>>
      %dma_start3A_23 = tpu.memref_slice %arg7[%mul3A_20] : memref<1024xf32, #tpu.memory_space<vmem_shared>> -> memref<64xf32, #tpu.memory_space<vmem_shared>>
      tpu.enqueue_dma source(%arg5 : memref<64xf32, #tpu.memory_space<vmem>>) target(%dma_start3A_23 : memref<64xf32, #tpu.memory_space<vmem_shared>>) target_semaphore(%run_scoped3A : memref<!tpu.dma_semaphore, #tpu.memory_space<semaphore_mem>>)
      %dma_wait3A = tpu.memref_slice %arg7[%mul3A_20] : memref<1024xf32, #tpu.memory_space<vmem_shared>> -> memref<64xf32, #tpu.memory_space<vmem_shared>>
      %dma_wait3A_24 = tpu.memref_slice %arg7[%mul3A_20] : memref<1024xf32, #tpu.memory_space<vmem_shared>> -> memref<64xf32, #tpu.memory_space<vmem_shared>>
      tpu.wait_dma2 semaphore(%run_scoped3A : memref<!tpu.dma_semaphore, #tpu.memory_space<semaphore_mem>>) src(%arg5 : memref<64xf32, #tpu.memory_space<vmem>>) dst(%dma_wait3A_24 : memref<64xf32, #tpu.memory_space<vmem_shared>>)
      tpu.yield
    }) : () -> ()
    %barrier3A = arith.constant 0 : index
    tpu.barrier barrier_id(%barrier3A)
    %eq3A = arith.constant 0 : i32
    %eq3A_21 = arith.cmpi eq, %arg1, %eq3A : i32
    %convert_element_type3A = arith.extui %eq3A_21 : i1 to i32
    %cond3A = arith.constant 0 : i32
    %cond3A_22 = arith.cmpi ne, %convert_element_type3A, %cond3A : i32
    scf.if %cond3A_22 {
      "tpu.region"() ({
        %run_scoped3A = tpu.sem_alloc : memref<!tpu.dma_semaphore, #tpu.memory_space<semaphore_mem>>
        tpu.enqueue_dma source(%arg7 : memref<1024xf32, #tpu.memory_space<vmem_shared>>) target(%arg6 : memref<1024xf32, #tpu.memory_space<vmem>>) target_semaphore(%run_scoped3A : memref<!tpu.dma_semaphore, #tpu.memory_space<semaphore_mem>>)
        tpu.wait_dma2 semaphore(%run_scoped3A : memref<!tpu.dma_semaphore, #tpu.memory_space<semaphore_mem>>) src(%arg7 : memref<1024xf32, #tpu.memory_space<vmem_shared>>) dst(%arg6 : memref<1024xf32, #tpu.memory_space<vmem>>)
        tpu.yield
      }) : () -> ()
      %broadcast_in_dim3A_23 = arith.constant 0.000000e+00 : f32
      %broadcast_in_dim3A_24 = vector.broadcast %broadcast_in_dim3A_23 : f32 to vector<16xf32>
      %get3A = arith.constant 0 : index
      %get3A_25 = tpu.vector_load %arg6[%get3A] {strides = array<i32>} : memref<1024xf32, #tpu.memory_space<vmem>>, vector<16xf32>,
      %add3A = arith.addf %broadcast_in_dim3A_24, %get3A_25 : vector<16xf32>
      %get3A_26 = arith.constant 64 : index
      %get3A_27 = tpu.vector_load %arg6[%get3A_26] {strides = array<i32>} : memref<1024xf32, #tpu.memory_space<vmem>>, vector<16xf32>,
      %add3A_28 = arith.addf %add3A, %get3A_27 : vector<16xf32>
      %get3A_29 = arith.constant 128 : index
      %get3A_30 = tpu.vector_load %arg6[%get3A_29] {strides = array<i32>} : memref<1024xf32, #tpu.memory_space<vmem>>, vector<16xf32>,
      %add3A_31 = arith.addf %add3A_28, %get3A_30 : vector<16xf32>
      %get3A_32 = arith.constant 192 : index
      %get3A_33 = tpu.vector_load %arg6[%get3A_32] {strides = array<i32>} : memref<1024xf32, #tpu.memory_space<vmem>>, vector<16xf32>,
      %add3A_34 = arith.addf %add3A_31, %get3A_33 : vector<16xf32>
      %get3A_35 = arith.constant 256 : index
      %get3A_36 = tpu.vector_load %arg6[%get3A_35] {strides = array<i32>} : memref<1024xf32, #tpu.memory_space<vmem>>, vector<16xf32>,
      %add3A_37 = arith.addf %add3A_34, %get3A_36 : vector<16xf32>
      %get3A_38 = arith.constant 320 : index
      %get3A_39 = tpu.vector_load %arg6[%get3A_38] {strides = array<i32>} : memref<1024xf32, #tpu.memory_space<vmem>>, vector<16xf32>,
      %add3A_40 = arith.addf %add3A_37, %get3A_39 : vector<16xf32>
      %get3A_41 = arith.constant 384 : index
      %get3A_42 = tpu.vector_load %arg6[%get3A_41] {strides = array<i32>} : memref<1024xf32, #tpu.memory_space<vmem>>, vector<16xf32>,
      %add3A_43 = arith.addf %add3A_40, %get3A_42 : vector<16xf32>
      %get3A_44 = arith.constant 448 : index
      %get3A_45 = tpu.vector_load %arg6[%get3A_44] {strides = array<i32>} : memref<1024xf32, #tpu.memory_space<vmem>>, vector<16xf32>,
      %add3A_46 = arith.addf %add3A_43, %get3A_45 : vector<16xf32>
      %get3A_47 = arith.constant 512 : index
      %get3A_48 = tpu.vector_load %arg6[%get3A_47] {strides = array<i32>} : memref<1024xf32, #tpu.memory_space<vmem>>, vector<16xf32>,
      %add3A_49 = arith.addf %add3A_46, %get3A_48 : vector<16xf32>
      %get3A_50 = arith.constant 576 : index
      %get3A_51 = tpu.vector_load %arg6[%get3A_50] {strides = array<i32>} : memref<1024xf32, #tpu.memory_space<vmem>>, vector<16xf32>,
      %add3A_52 = arith.addf %add3A_49, %get3A_51 : vector<16xf32>
      %get3A_53 = arith.constant 640 : index
      %get3A_54 = tpu.vector_load %arg6[%get3A_53] {strides = array<i32>} : memref<1024xf32, #tpu.memory_space<vmem>>, vector<16xf32>,
      %add3A_55 = arith.addf %add3A_52, %get3A_54 : vector<16xf32>
      %get3A_56 = arith.constant 704 : index
      %get3A_57 = tpu.vector_load %arg6[%get3A_56] {strides = array<i32>} : memref<1024xf32, #tpu.memory_space<vmem>>, vector<16xf32>,
      %add3A_58 = arith.addf %add3A_55, %get3A_57 : vector<16xf32>
      %get3A_59 = arith.constant 768 : index
      %get3A_60 = tpu.vector_load %arg6[%get3A_59] {strides = array<i32>} : memref<1024xf32, #tpu.memory_space<vmem>>, vector<16xf32>,
      %add3A_61 = arith.addf %add3A_58, %get3A_60 : vector<16xf32>
      %get3A_62 = arith.constant 832 : index
      %get3A_63 = tpu.vector_load %arg6[%get3A_62] {strides = array<i32>} : memref<1024xf32, #tpu.memory_space<vmem>>, vector<16xf32>,
      %add3A_64 = arith.addf %add3A_61, %get3A_63 : vector<16xf32>
      %get3A_65 = arith.constant 896 : index
      %get3A_66 = tpu.vector_load %arg6[%get3A_65] {strides = array<i32>} : memref<1024xf32, #tpu.memory_space<vmem>>, vector<16xf32>,
      %add3A_67 = arith.addf %add3A_64, %get3A_66 : vector<16xf32>
      %get3A_68 = arith.constant 960 : index
      %get3A_69 = tpu.vector_load %arg6[%get3A_68] {strides = array<i32>} : memref<1024xf32, #tpu.memory_space<vmem>>, vector<16xf32>,
      %add3A_70 = arith.addf %add3A_67, %get3A_69 : vector<16xf32>
      %mul3A_71 = arith.constant 2.44140625E-4 : f32
      %mul3A_72 = vector.broadcast %mul3A_71 : f32 to vector<16xf32>
      %mul3A_73 = arith.mulf %add3A_70, %mul3A_72 : vector<16xf32>
      %swap3A_74 = arith.constant 0 : index
      %swap3A_75 = tpu.vector_load %arg5[%swap3A_74] {strides = array<i32>} : memref<64xf32, #tpu.memory_space<vmem>>, vector<16xf32>,
      tpu.vector_store %arg5[%swap3A_74], %mul3A_73 {strides = array<i32>} : memref<64xf32, #tpu.memory_space<vmem>>, vector<16xf32>,
      %broadcast_in_dim3A_76 = arith.constant 0.000000e+00 : f32
      %broadcast_in_dim3A_77 = vector.broadcast %broadcast_in_dim3A_76 : f32 to vector<16xf32>
      %get3A_78 = arith.constant 16 : index
      %get3A_79 = tpu.vector_load %arg6[%get3A_78] {strides = array<i32>} : memref<1024xf32, #tpu.memory_space<vmem>>, vector<16xf32>,
      %add3A_80 = arith.addf %broadcast_in_dim3A_77, %get3A_79 : vector<16xf32>
      %get3A_81 = arith.constant 80 : index
      %get3A_82 = tpu.vector_load %arg6[%get3A_81] {strides = array<i32>} : memref<1024xf32, #tpu.memory_space<vmem>>, vector<16xf32>,
      %add3A_83 = arith.addf %add3A_80, %get3A_82 : vector<16xf32>
      %get3A_84 = arith.constant 144 : index
      %get3A_85 = tpu.vector_load %arg6[%get3A_84] {strides = array<i32>} : memref<1024xf32, #tpu.memory_space<vmem>>, vector<16xf32>,
      %add3A_86 = arith.addf %add3A_83, %get3A_85 : vector<16xf32>
      %get3A_87 = arith.constant 208 : index
      %get3A_88 = tpu.vector_load %arg6[%get3A_87] {strides = array<i32>} : memref<1024xf32, #tpu.memory_space<vmem>>, vector<16xf32>,
      %add3A_89 = arith.addf %add3A_86, %get3A_88 : vector<16xf32>
      %get3A_90 = arith.constant 272 : index
      %get3A_91 = tpu.vector_load %arg6[%get3A_90] {strides = array<i32>} : memref<1024xf32, #tpu.memory_space<vmem>>, vector<16xf32>,
      %add3A_92 = arith.addf %add3A_89, %get3A_91 : vector<16xf32>
      %get3A_93 = arith.constant 336 : index
      %get3A_94 = tpu.vector_load %arg6[%get3A_93] {strides = array<i32>} : memref<1024xf32, #tpu.memory_space<vmem>>, vector<16xf32>,
      %add3A_95 = arith.addf %add3A_92, %get3A_94 : vector<16xf32>
      %get3A_96 = arith.constant 400 : index
      %get3A_97 = tpu.vector_load %arg6[%get3A_96] {strides = array<i32>} : memref<1024xf32, #tpu.memory_space<vmem>>, vector<16xf32>,
      %add3A_98 = arith.addf %add3A_95, %get3A_97 : vector<16xf32>
      %get3A_99 = arith.constant 464 : index
      %get3A_100 = tpu.vector_load %arg6[%get3A_99] {strides = array<i32>} : memref<1024xf32, #tpu.memory_space<vmem>>, vector<16xf32>,
      %add3A_101 = arith.addf %add3A_98, %get3A_100 : vector<16xf32>
      %get3A_102 = arith.constant 528 : index
      %get3A_103 = tpu.vector_load %arg6[%get3A_102] {strides = array<i32>} : memref<1024xf32, #tpu.memory_space<vmem>>, vector<16xf32>,
      %add3A_104 = arith.addf %add3A_101, %get3A_103 : vector<16xf32>
      %get3A_105 = arith.constant 592 : index
      %get3A_106 = tpu.vector_load %arg6[%get3A_105] {strides = array<i32>} : memref<1024xf32, #tpu.memory_space<vmem>>, vector<16xf32>,
      %add3A_107 = arith.addf %add3A_104, %get3A_106 : vector<16xf32>
      %get3A_108 = arith.constant 656 : index
      %get3A_109 = tpu.vector_load %arg6[%get3A_108] {strides = array<i32>} : memref<1024xf32, #tpu.memory_space<vmem>>, vector<16xf32>,
      %add3A_110 = arith.addf %add3A_107, %get3A_109 : vector<16xf32>
      %get3A_111 = arith.constant 720 : index
      %get3A_112 = tpu.vector_load %arg6[%get3A_111] {strides = array<i32>} : memref<1024xf32, #tpu.memory_space<vmem>>, vector<16xf32>,
      %add3A_113 = arith.addf %add3A_110, %get3A_112 : vector<16xf32>
      %get3A_114 = arith.constant 784 : index
      %get3A_115 = tpu.vector_load %arg6[%get3A_114] {strides = array<i32>} : memref<1024xf32, #tpu.memory_space<vmem>>, vector<16xf32>,
      %add3A_116 = arith.addf %add3A_113, %get3A_115 : vector<16xf32>
      %get3A_117 = arith.constant 848 : index
      %get3A_118 = tpu.vector_load %arg6[%get3A_117] {strides = array<i32>} : memref<1024xf32, #tpu.memory_space<vmem>>, vector<16xf32>,
      %add3A_119 = arith.addf %add3A_116, %get3A_118 : vector<16xf32>
      %get3A_120 = arith.constant 912 : index
      %get3A_121 = tpu.vector_load %arg6[%get3A_120] {strides = array<i32>} : memref<1024xf32, #tpu.memory_space<vmem>>, vector<16xf32>,
      %add3A_122 = arith.addf %add3A_119, %get3A_121 : vector<16xf32>
      %get3A_123 = arith.constant 976 : index
      %get3A_124 = tpu.vector_load %arg6[%get3A_123] {strides = array<i32>} : memref<1024xf32, #tpu.memory_space<vmem>>, vector<16xf32>,
      %add3A_125 = arith.addf %add3A_122, %get3A_124 : vector<16xf32>
      %mul3A_126 = arith.constant 2.44140625E-4 : f32
      %mul3A_127 = vector.broadcast %mul3A_126 : f32 to vector<16xf32>
      %mul3A_128 = arith.mulf %add3A_125, %mul3A_127 : vector<16xf32>
      %swap3A_129 = arith.constant 16 : index
      %swap3A_130 = tpu.vector_load %arg5[%swap3A_129] {strides = array<i32>} : memref<64xf32, #tpu.memory_space<vmem>>, vector<16xf32>,
      tpu.vector_store %arg5[%swap3A_129], %mul3A_128 {strides = array<i32>} : memref<64xf32, #tpu.memory_space<vmem>>, vector<16xf32>,
      %broadcast_in_dim3A_131 = arith.constant 0.000000e+00 : f32
      %broadcast_in_dim3A_132 = vector.broadcast %broadcast_in_dim3A_131 : f32 to vector<16xf32>
      %get3A_133 = arith.constant 32 : index
      %get3A_134 = tpu.vector_load %arg6[%get3A_133] {strides = array<i32>} : memref<1024xf32, #tpu.memory_space<vmem>>, vector<16xf32>,
      %add3A_135 = arith.addf %broadcast_in_dim3A_132, %get3A_134 : vector<16xf32>
      %get3A_136 = arith.constant 96 : index
      %get3A_137 = tpu.vector_load %arg6[%get3A_136] {strides = array<i32>} : memref<1024xf32, #tpu.memory_space<vmem>>, vector<16xf32>,
      %add3A_138 = arith.addf %add3A_135, %get3A_137 : vector<16xf32>
      %get3A_139 = arith.constant 160 : index
      %get3A_140 = tpu.vector_load %arg6[%get3A_139] {strides = array<i32>} : memref<1024xf32, #tpu.memory_space<vmem>>, vector<16xf32>,
      %add3A_141 = arith.addf %add3A_138, %get3A_140 : vector<16xf32>
      %get3A_142 = arith.constant 224 : index
      %get3A_143 = tpu.vector_load %arg6[%get3A_142] {strides = array<i32>} : memref<1024xf32, #tpu.memory_space<vmem>>, vector<16xf32>,
      %add3A_144 = arith.addf %add3A_141, %get3A_143 : vector<16xf32>
      %get3A_145 = arith.constant 288 : index
      %get3A_146 = tpu.vector_load %arg6[%get3A_145] {strides = array<i32>} : memref<1024xf32, #tpu.memory_space<vmem>>, vector<16xf32>,
      %add3A_147 = arith.addf %add3A_144, %get3A_146 : vector<16xf32>
      %get3A_148 = arith.constant 352 : index
      %get3A_149 = tpu.vector_load %arg6[%get3A_148] {strides = array<i32>} : memref<1024xf32, #tpu.memory_space<vmem>>, vector<16xf32>,
      %add3A_150 = arith.addf %add3A_147, %get3A_149 : vector<16xf32>
      %get3A_151 = arith.constant 416 : index
      %get3A_152 = tpu.vector_load %arg6[%get3A_151] {strides = array<i32>} : memref<1024xf32, #tpu.memory_space<vmem>>, vector<16xf32>,
      %add3A_153 = arith.addf %add3A_150, %get3A_152 : vector<16xf32>
      %get3A_154 = arith.constant 480 : index
      %get3A_155 = tpu.vector_load %arg6[%get3A_154] {strides = array<i32>} : memref<1024xf32, #tpu.memory_space<vmem>>, vector<16xf32>,
      %add3A_156 = arith.addf %add3A_153, %get3A_155 : vector<16xf32>
      %get3A_157 = arith.constant 544 : index
      %get3A_158 = tpu.vector_load %arg6[%get3A_157] {strides = array<i32>} : memref<1024xf32, #tpu.memory_space<vmem>>, vector<16xf32>,
      %add3A_159 = arith.addf %add3A_156, %get3A_158 : vector<16xf32>
      %get3A_160 = arith.constant 608 : index
      %get3A_161 = tpu.vector_load %arg6[%get3A_160] {strides = array<i32>} : memref<1024xf32, #tpu.memory_space<vmem>>, vector<16xf32>,
      %add3A_162 = arith.addf %add3A_159, %get3A_161 : vector<16xf32>
      %get3A_163 = arith.constant 672 : index
      %get3A_164 = tpu.vector_load %arg6[%get3A_163] {strides = array<i32>} : memref<1024xf32, #tpu.memory_space<vmem>>, vector<16xf32>,
      %add3A_165 = arith.addf %add3A_162, %get3A_164 : vector<16xf32>
      %get3A_166 = arith.constant 736 : index
      %get3A_167 = tpu.vector_load %arg6[%get3A_166] {strides = array<i32>} : memref<1024xf32, #tpu.memory_space<vmem>>, vector<16xf32>,
      %add3A_168 = arith.addf %add3A_165, %get3A_167 : vector<16xf32>
      %get3A_169 = arith.constant 800 : index
      %get3A_170 = tpu.vector_load %arg6[%get3A_169] {strides = array<i32>} : memref<1024xf32, #tpu.memory_space<vmem>>, vector<16xf32>,
      %add3A_171 = arith.addf %add3A_168, %get3A_170 : vector<16xf32>
      %get3A_172 = arith.constant 864 : index
      %get3A_173 = tpu.vector_load %arg6[%get3A_172] {strides = array<i32>} : memref<1024xf32, #tpu.memory_space<vmem>>, vector<16xf32>,
      %add3A_174 = arith.addf %add3A_171, %get3A_173 : vector<16xf32>
      %get3A_175 = arith.constant 928 : index
      %get3A_176 = tpu.vector_load %arg6[%get3A_175] {strides = array<i32>} : memref<1024xf32, #tpu.memory_space<vmem>>, vector<16xf32>,
      %add3A_177 = arith.addf %add3A_174, %get3A_176 : vector<16xf32>
      %get3A_178 = arith.constant 992 : index
      %get3A_179 = tpu.vector_load %arg6[%get3A_178] {strides = array<i32>} : memref<1024xf32, #tpu.memory_space<vmem>>, vector<16xf32>,
      %add3A_180 = arith.addf %add3A_177, %get3A_179 : vector<16xf32>
      %mul3A_181 = arith.constant 2.44140625E-4 : f32
      %mul3A_182 = vector.broadcast %mul3A_181 : f32 to vector<16xf32>
      %mul3A_183 = arith.mulf %add3A_180, %mul3A_182 : vector<16xf32>
      %swap3A_184 = arith.constant 32 : index
      %swap3A_185 = tpu.vector_load %arg5[%swap3A_184] {strides = array<i32>} : memref<64xf32, #tpu.memory_space<vmem>>, vector<16xf32>,
      tpu.vector_store %arg5[%swap3A_184], %mul3A_183 {strides = array<i32>} : memref<64xf32, #tpu.memory_space<vmem>>, vector<16xf32>,
      %broadcast_in_dim3A_186 = arith.constant 0.000000e+00 : f32
      %broadcast_in_dim3A_187 = vector.broadcast %broadcast_in_dim3A_186 : f32 to vector<16xf32>
      %get3A_188 = arith.constant 48 : index
      %get3A_189 = tpu.vector_load %arg6[%get3A_188] {strides = array<i32>} : memref<1024xf32, #tpu.memory_space<vmem>>, vector<16xf32>,
      %add3A_190 = arith.addf %broadcast_in_dim3A_187, %get3A_189 : vector<16xf32>
      %get3A_191 = arith.constant 112 : index
      %get3A_192 = tpu.vector_load %arg6[%get3A_191] {strides = array<i32>} : memref<1024xf32, #tpu.memory_space<vmem>>, vector<16xf32>,
      %add3A_193 = arith.addf %add3A_190, %get3A_192 : vector<16xf32>
      %get3A_194 = arith.constant 176 : index
      %get3A_195 = tpu.vector_load %arg6[%get3A_194] {strides = array<i32>} : memref<1024xf32, #tpu.memory_space<vmem>>, vector<16xf32>,
      %add3A_196 = arith.addf %add3A_193, %get3A_195 : vector<16xf32>
      %get3A_197 = arith.constant 240 : index
      %get3A_198 = tpu.vector_load %arg6[%get3A_197] {strides = array<i32>} : memref<1024xf32, #tpu.memory_space<vmem>>, vector<16xf32>,
      %add3A_199 = arith.addf %add3A_196, %get3A_198 : vector<16xf32>
      %get3A_200 = arith.constant 304 : index
      %get3A_201 = tpu.vector_load %arg6[%get3A_200] {strides = array<i32>} : memref<1024xf32, #tpu.memory_space<vmem>>, vector<16xf32>,
      %add3A_202 = arith.addf %add3A_199, %get3A_201 : vector<16xf32>
      %get3A_203 = arith.constant 368 : index
      %get3A_204 = tpu.vector_load %arg6[%get3A_203] {strides = array<i32>} : memref<1024xf32, #tpu.memory_space<vmem>>, vector<16xf32>,
      %add3A_205 = arith.addf %add3A_202, %get3A_204 : vector<16xf32>
      %get3A_206 = arith.constant 432 : index
      %get3A_207 = tpu.vector_load %arg6[%get3A_206] {strides = array<i32>} : memref<1024xf32, #tpu.memory_space<vmem>>, vector<16xf32>,
      %add3A_208 = arith.addf %add3A_205, %get3A_207 : vector<16xf32>
      %get3A_209 = arith.constant 496 : index
      %get3A_210 = tpu.vector_load %arg6[%get3A_209] {strides = array<i32>} : memref<1024xf32, #tpu.memory_space<vmem>>, vector<16xf32>,
      %add3A_211 = arith.addf %add3A_208, %get3A_210 : vector<16xf32>
      %get3A_212 = arith.constant 560 : index
      %get3A_213 = tpu.vector_load %arg6[%get3A_212] {strides = array<i32>} : memref<1024xf32, #tpu.memory_space<vmem>>, vector<16xf32>,
      %add3A_214 = arith.addf %add3A_211, %get3A_213 : vector<16xf32>
      %get3A_215 = arith.constant 624 : index
      %get3A_216 = tpu.vector_load %arg6[%get3A_215] {strides = array<i32>} : memref<1024xf32, #tpu.memory_space<vmem>>, vector<16xf32>,
      %add3A_217 = arith.addf %add3A_214, %get3A_216 : vector<16xf32>
      %get3A_218 = arith.constant 688 : index
      %get3A_219 = tpu.vector_load %arg6[%get3A_218] {strides = array<i32>} : memref<1024xf32, #tpu.memory_space<vmem>>, vector<16xf32>,
      %add3A_220 = arith.addf %add3A_217, %get3A_219 : vector<16xf32>
      %get3A_221 = arith.constant 752 : index
      %get3A_222 = tpu.vector_load %arg6[%get3A_221] {strides = array<i32>} : memref<1024xf32, #tpu.memory_space<vmem>>, vector<16xf32>,
      %add3A_223 = arith.addf %add3A_220, %get3A_222 : vector<16xf32>
      %get3A_224 = arith.constant 816 : index
      %get3A_225 = tpu.vector_load %arg6[%get3A_224] {strides = array<i32>} : memref<1024xf32, #tpu.memory_space<vmem>>, vector<16xf32>,
      %add3A_226 = arith.addf %add3A_223, %get3A_225 : vector<16xf32>
      %get3A_227 = arith.constant 880 : index
      %get3A_228 = tpu.vector_load %arg6[%get3A_227] {strides = array<i32>} : memref<1024xf32, #tpu.memory_space<vmem>>, vector<16xf32>,
      %add3A_229 = arith.addf %add3A_226, %get3A_228 : vector<16xf32>
      %get3A_230 = arith.constant 944 : index
      %get3A_231 = tpu.vector_load %arg6[%get3A_230] {strides = array<i32>} : memref<1024xf32, #tpu.memory_space<vmem>>, vector<16xf32>,
      %add3A_232 = arith.addf %add3A_229, %get3A_231 : vector<16xf32>
      %get3A_233 = arith.constant 1008 : index
      %get3A_234 = tpu.vector_load %arg6[%get3A_233] {strides = array<i32>} : memref<1024xf32, #tpu.memory_space<vmem>>, vector<16xf32>,
      %add3A_235 = arith.addf %add3A_232, %get3A_234 : vector<16xf32>
      %mul3A_236 = arith.constant 2.44140625E-4 : f32
      %mul3A_237 = vector.broadcast %mul3A_236 : f32 to vector<16xf32>
      %mul3A_238 = arith.mulf %add3A_235, %mul3A_237 : vector<16xf32>
      %swap3A_239 = arith.constant 48 : index
      %swap3A_240 = tpu.vector_load %arg5[%swap3A_239] {strides = array<i32>} : memref<64xf32, #tpu.memory_space<vmem>>, vector<16xf32>,
      tpu.vector_store %arg5[%swap3A_239], %mul3A_238 {strides = array<i32>} : memref<64xf32, #tpu.memory_space<vmem>>, vector<16xf32>,
      "tpu.region"() ({
        %run_scoped3A = tpu.sem_alloc : memref<!tpu.dma_semaphore, #tpu.memory_space<semaphore_mem>>
        tpu.enqueue_dma source(%arg5 : memref<64xf32, #tpu.memory_space<vmem>>) target(%arg3 : memref<64xf32, #tpu.memory_space<hbm>>) target_semaphore(%run_scoped3A : memref<!tpu.dma_semaphore, #tpu.memory_space<semaphore_mem>>)
        tpu.wait_dma2 semaphore(%run_scoped3A : memref<!tpu.dma_semaphore, #tpu.memory_space<semaphore_mem>>) src(%arg5 : memref<64xf32, #tpu.memory_space<vmem>>) dst(%arg3 : memref<64xf32, #tpu.memory_space<hbm>>)
        tpu.yield
      }) : () -> ()
    } else {
    }
    return
  }
}

module attributes {stable_mosaic.version = 14 : i64} {
  func.func @_tc_body(%arg0: i32, %arg1: memref<4096x768xf32, #tpu.memory_space<vmem>>, %arg2: memref<64x768xf32, #tpu.memory_space<vmem>>, %arg3: memref<64x1xf32, #tpu.memory_space<vmem>>, %arg4: memref<4096x8xf32, #tpu.memory_space<vmem>>, %arg5: memref<4096x8xi32, #tpu.memory_space<vmem>>, %arg6: memref<1x64xf32, #tpu.memory_space<vmem>>) attributes {dimension_semantics = [#tpu.dimension_semantics<arbitrary>], iteration_bounds = array<i64: 8>, scalar_prefetch = 0 : i64, scratch_operands = 0 : i64, tpu.core_type = #tpu.core_type<tc>, window_params = [{transform_indices = @transform_0, window_bounds = array<i64: 4096, 768>}, {pipeline_mode = #tpu.pipeline_mode<synchronous>, transform_indices = @transform_1, window_bounds = array<i64: 64, 768>}, {pipeline_mode = #tpu.pipeline_mode<synchronous>, transform_indices = @transform_2, window_bounds = array<i64: 64, 1>}, {transform_indices = @transform_3, window_bounds = array<i64: 4096, 8>}, {transform_indices = @transform_4, window_bounds = array<i64: 4096, 8>}, {pipeline_mode = #tpu.pipeline_mode<synchronous>, transform_indices = @transform_5, window_bounds = array<i64: 1, 64>}]} {
    %get3A = arith.constant 0 : index
    %get3A_0 = arith.constant 0 : index
    %get3A_1 = vector.load %arg1[%get3A, %get3A_0] : memref<4096x768xf32, #tpu.memory_space<vmem>>, vector<4096x768xf32>
    %get3A_2 = arith.constant 0 : index
    %get3A_3 = arith.constant 0 : index
    %get3A_4 = vector.load %arg2[%get3A_2, %get3A_3] : memref<64x768xf32, #tpu.memory_space<vmem>>, vector<64x768xf32>
    %dot_general3A = arith.constant dense<0.000000e+00> : vector<64x4096xf32>
    %dot_general3A_5 = tpu.matmul %get3A_4, %get3A_1, %dot_general3A {dimension_numbers = #tpu.dot_dimension_numbers<[1], [1], [0], [0], [0, 0, 1, 0], [], []>, transpose_lhs_hint = false} : vector<64x768xf32>, vector<4096x768xf32>, vector<64x4096xf32> -> vector<64x4096xf32>
    %reduce_max3A = arith.constant dense<0xFF800000> : vector<4096xf32>
    %reduce_max3A_6 = vector.multi_reduction <maximumf>, %dot_general3A_5, %reduce_max3A [0] : vector<64x4096xf32> to vector<4096xf32>
    %broadcast_in_dim3A = vector.shape_cast %reduce_max3A_6 : vector<4096xf32> to vector<1x4096xf32>
    %sub3A = vector.broadcast %broadcast_in_dim3A : vector<1x4096xf32> to vector<64x4096xf32>
    %sub3A_7 = arith.subf %dot_general3A_5, %sub3A : vector<64x4096xf32>
    %exp3A = math.exp %sub3A_7 : vector<64x4096xf32>
    %reduce_sum3A = arith.constant dense<0.000000e+00> : vector<4096xf32>
    %reduce_sum3A_8 = vector.multi_reduction <add>, %exp3A, %reduce_sum3A [0] : vector<64x4096xf32> to vector<4096xf32>
    %broadcast_in_dim3A_9 = vector.shape_cast %reduce_sum3A_8 : vector<4096xf32> to vector<1x4096xf32>
    %div3A = vector.broadcast %broadcast_in_dim3A_9 : vector<1x4096xf32> to vector<64x4096xf32>
    %div3A_10 = arith.divf %exp3A, %div3A : vector<64x4096xf32>
    %get3A_11 = arith.constant 0 : index
    %get3A_12 = arith.constant 0 : index
    %get3A_13 = vector.load %arg3[%get3A_11, %get3A_12] : memref<64x1xf32, #tpu.memory_space<vmem>>, vector<64x1xf32>
    %add3A = vector.broadcast %get3A_13 : vector<64x1xf32> to vector<64x4096xf32>
    %add3A_14 = arith.addf %div3A_10, %add3A : vector<64x4096xf32>
    %iota3A = tpu.iota {dimensions = array<i32: 0>} : vector<64x4096xi32>
    %convert_element_type3A = arith.sitofp %iota3A : vector<64x4096xi32> to vector<64x4096xf32>
    %reduce_max3A_15 = arith.constant dense<0xFF800000> : vector<4096xf32>
    %reduce_max3A_16 = vector.multi_reduction <maximumf>, %add3A_14, %reduce_max3A_15 [0] : vector<64x4096xf32> to vector<4096xf32>
    %broadcast_in_dim3A_17 = vector.shape_cast %reduce_max3A_16 : vector<4096xf32> to vector<1x4096xf32>
    %eq3A = vector.broadcast %broadcast_in_dim3A_17 : vector<1x4096xf32> to vector<64x4096xf32>
    %eq3A_18 = arith.cmpf oeq, %add3A_14, %eq3A : vector<64x4096xf32>
    %jit3A = arith.constant 6.400000e+01 : f32
    %broadcast_in_dim3A_19 = vector.broadcast %jit3A : f32 to vector<64x4096xf32>
    %select_n3A = arith.select %eq3A_18, %convert_element_type3A, %broadcast_in_dim3A_19 : vector<64x4096xi1>, vector<64x4096xf32>
    %reduce_min3A = arith.constant dense<0x7F800000> : vector<4096xf32>
    %reduce_min3A_20 = vector.multi_reduction <minimumf>, %select_n3A, %reduce_min3A [0] : vector<64x4096xf32> to vector<4096xf32>
    %broadcast_in_dim3A_21 = vector.shape_cast %reduce_min3A_20 : vector<4096xf32> to vector<1x4096xf32>
    %eq3A_22 = vector.broadcast %broadcast_in_dim3A_21 : vector<1x4096xf32> to vector<64x4096xf32>
    %eq3A_23 = arith.cmpf oeq, %convert_element_type3A, %eq3A_22 : vector<64x4096xf32>
    %convert_element_type3A_24 = arith.extui %eq3A_23 : vector<64x4096xi1> to vector<64x4096xi32>
    %convert_element_type3A_25 = arith.sitofp %convert_element_type3A_24 : vector<64x4096xi32> to vector<64x4096xf32>
    %mul3A = arith.mulf %convert_element_type3A_25, %div3A_10 : vector<64x4096xf32>
    %reduce_sum3A_26 = arith.constant dense<0.000000e+00> : vector<4096xf32>
    %reduce_sum3A_27 = vector.multi_reduction <add>, %mul3A, %reduce_sum3A_26 [0] : vector<64x4096xf32> to vector<4096xf32>
    %broadcast_in_dim3A_28 = vector.shape_cast %reduce_sum3A_27 : vector<4096xf32> to vector<1x4096xf32>
    %mul3A_29 = arith.constant 3.000000e+38 : f32
    %mul3A_30 = vector.broadcast %mul3A_29 : f32 to vector<64x4096xf32>
    %mul3A_31 = arith.mulf %convert_element_type3A_25, %mul3A_30 : vector<64x4096xf32>
    %sub3A_32 = arith.subf %add3A_14, %mul3A_31 : vector<64x4096xf32>
    %reduce_max3A_33 = arith.constant dense<0xFF800000> : vector<4096xf32>
    %reduce_max3A_34 = vector.multi_reduction <maximumf>, %sub3A_32, %reduce_max3A_33 [0] : vector<64x4096xf32> to vector<4096xf32>
    %broadcast_in_dim3A_35 = vector.shape_cast %reduce_max3A_34 : vector<4096xf32> to vector<1x4096xf32>
    %eq3A_36 = vector.broadcast %broadcast_in_dim3A_35 : vector<1x4096xf32> to vector<64x4096xf32>
    %eq3A_37 = arith.cmpf oeq, %sub3A_32, %eq3A_36 : vector<64x4096xf32>
    %jit3A_38 = arith.constant 6.400000e+01 : f32
    %broadcast_in_dim3A_39 = vector.broadcast %jit3A_38 : f32 to vector<64x4096xf32>
    %select_n3A_40 = arith.select %eq3A_37, %convert_element_type3A, %broadcast_in_dim3A_39 : vector<64x4096xi1>, vector<64x4096xf32>
    %reduce_min3A_41 = arith.constant dense<0x7F800000> : vector<4096xf32>
    %reduce_min3A_42 = vector.multi_reduction <minimumf>, %select_n3A_40, %reduce_min3A_41 [0] : vector<64x4096xf32> to vector<4096xf32>
    %broadcast_in_dim3A_43 = vector.shape_cast %reduce_min3A_42 : vector<4096xf32> to vector<1x4096xf32>
    %eq3A_44 = vector.broadcast %broadcast_in_dim3A_43 : vector<1x4096xf32> to vector<64x4096xf32>
    %eq3A_45 = arith.cmpf oeq, %convert_element_type3A, %eq3A_44 : vector<64x4096xf32>
    %convert_element_type3A_46 = arith.extui %eq3A_45 : vector<64x4096xi1> to vector<64x4096xi32>
    %convert_element_type3A_47 = arith.sitofp %convert_element_type3A_46 : vector<64x4096xi32> to vector<64x4096xf32>
    %mul3A_48 = arith.mulf %convert_element_type3A_47, %div3A_10 : vector<64x4096xf32>
    %reduce_sum3A_49 = arith.constant dense<0.000000e+00> : vector<4096xf32>
    %reduce_sum3A_50 = vector.multi_reduction <add>, %mul3A_48, %reduce_sum3A_49 [0] : vector<64x4096xf32> to vector<4096xf32>
    %broadcast_in_dim3A_51 = vector.shape_cast %reduce_sum3A_50 : vector<4096xf32> to vector<1x4096xf32>
    %mul3A_52 = arith.constant 3.000000e+38 : f32
    %mul3A_53 = vector.broadcast %mul3A_52 : f32 to vector<64x4096xf32>
    %mul3A_54 = arith.mulf %convert_element_type3A_47, %mul3A_53 : vector<64x4096xf32>
    %sub3A_55 = arith.subf %sub3A_32, %mul3A_54 : vector<64x4096xf32>
    %reduce_max3A_56 = arith.constant dense<0xFF800000> : vector<4096xf32>
    %reduce_max3A_57 = vector.multi_reduction <maximumf>, %sub3A_55, %reduce_max3A_56 [0] : vector<64x4096xf32> to vector<4096xf32>
    %broadcast_in_dim3A_58 = vector.shape_cast %reduce_max3A_57 : vector<4096xf32> to vector<1x4096xf32>
    %eq3A_59 = vector.broadcast %broadcast_in_dim3A_58 : vector<1x4096xf32> to vector<64x4096xf32>
    %eq3A_60 = arith.cmpf oeq, %sub3A_55, %eq3A_59 : vector<64x4096xf32>
    %jit3A_61 = arith.constant 6.400000e+01 : f32
    %broadcast_in_dim3A_62 = vector.broadcast %jit3A_61 : f32 to vector<64x4096xf32>
    %select_n3A_63 = arith.select %eq3A_60, %convert_element_type3A, %broadcast_in_dim3A_62 : vector<64x4096xi1>, vector<64x4096xf32>
    %reduce_min3A_64 = arith.constant dense<0x7F800000> : vector<4096xf32>
    %reduce_min3A_65 = vector.multi_reduction <minimumf>, %select_n3A_63, %reduce_min3A_64 [0] : vector<64x4096xf32> to vector<4096xf32>
    %broadcast_in_dim3A_66 = vector.shape_cast %reduce_min3A_65 : vector<4096xf32> to vector<1x4096xf32>
    %eq3A_67 = vector.broadcast %broadcast_in_dim3A_66 : vector<1x4096xf32> to vector<64x4096xf32>
    %eq3A_68 = arith.cmpf oeq, %convert_element_type3A, %eq3A_67 : vector<64x4096xf32>
    %convert_element_type3A_69 = arith.extui %eq3A_68 : vector<64x4096xi1> to vector<64x4096xi32>
    %convert_element_type3A_70 = arith.sitofp %convert_element_type3A_69 : vector<64x4096xi32> to vector<64x4096xf32>
    %mul3A_71 = arith.mulf %convert_element_type3A_70, %div3A_10 : vector<64x4096xf32>
    %reduce_sum3A_72 = arith.constant dense<0.000000e+00> : vector<4096xf32>
    %reduce_sum3A_73 = vector.multi_reduction <add>, %mul3A_71, %reduce_sum3A_72 [0] : vector<64x4096xf32> to vector<4096xf32>
    %broadcast_in_dim3A_74 = vector.shape_cast %reduce_sum3A_73 : vector<4096xf32> to vector<1x4096xf32>
    %mul3A_75 = arith.constant 3.000000e+38 : f32
    %mul3A_76 = vector.broadcast %mul3A_75 : f32 to vector<64x4096xf32>
    %mul3A_77 = arith.mulf %convert_element_type3A_70, %mul3A_76 : vector<64x4096xf32>
    %sub3A_78 = arith.subf %sub3A_55, %mul3A_77 : vector<64x4096xf32>
    %reduce_max3A_79 = arith.constant dense<0xFF800000> : vector<4096xf32>
    %reduce_max3A_80 = vector.multi_reduction <maximumf>, %sub3A_78, %reduce_max3A_79 [0] : vector<64x4096xf32> to vector<4096xf32>
    %broadcast_in_dim3A_81 = vector.shape_cast %reduce_max3A_80 : vector<4096xf32> to vector<1x4096xf32>
    %eq3A_82 = vector.broadcast %broadcast_in_dim3A_81 : vector<1x4096xf32> to vector<64x4096xf32>
    %eq3A_83 = arith.cmpf oeq, %sub3A_78, %eq3A_82 : vector<64x4096xf32>
    %jit3A_84 = arith.constant 6.400000e+01 : f32
    %broadcast_in_dim3A_85 = vector.broadcast %jit3A_84 : f32 to vector<64x4096xf32>
    %select_n3A_86 = arith.select %eq3A_83, %convert_element_type3A, %broadcast_in_dim3A_85 : vector<64x4096xi1>, vector<64x4096xf32>
    %reduce_min3A_87 = arith.constant dense<0x7F800000> : vector<4096xf32>
    %reduce_min3A_88 = vector.multi_reduction <minimumf>, %select_n3A_86, %reduce_min3A_87 [0] : vector<64x4096xf32> to vector<4096xf32>
    %broadcast_in_dim3A_89 = vector.shape_cast %reduce_min3A_88 : vector<4096xf32> to vector<1x4096xf32>
    %eq3A_90 = vector.broadcast %broadcast_in_dim3A_89 : vector<1x4096xf32> to vector<64x4096xf32>
    %eq3A_91 = arith.cmpf oeq, %convert_element_type3A, %eq3A_90 : vector<64x4096xf32>
    %convert_element_type3A_92 = arith.extui %eq3A_91 : vector<64x4096xi1> to vector<64x4096xi32>
    %convert_element_type3A_93 = arith.sitofp %convert_element_type3A_92 : vector<64x4096xi32> to vector<64x4096xf32>
    %mul3A_94 = arith.mulf %convert_element_type3A_93, %div3A_10 : vector<64x4096xf32>
    %reduce_sum3A_95 = arith.constant dense<0.000000e+00> : vector<4096xf32>
    %reduce_sum3A_96 = vector.multi_reduction <add>, %mul3A_94, %reduce_sum3A_95 [0] : vector<64x4096xf32> to vector<4096xf32>
    %broadcast_in_dim3A_97 = vector.shape_cast %reduce_sum3A_96 : vector<4096xf32> to vector<1x4096xf32>
    %mul3A_98 = arith.constant 3.000000e+38 : f32
    %mul3A_99 = vector.broadcast %mul3A_98 : f32 to vector<64x4096xf32>
    %mul3A_100 = arith.mulf %convert_element_type3A_93, %mul3A_99 : vector<64x4096xf32>
    %sub3A_101 = arith.subf %sub3A_78, %mul3A_100 : vector<64x4096xf32>
    %reduce_max3A_102 = arith.constant dense<0xFF800000> : vector<4096xf32>
    %reduce_max3A_103 = vector.multi_reduction <maximumf>, %sub3A_101, %reduce_max3A_102 [0] : vector<64x4096xf32> to vector<4096xf32>
    %broadcast_in_dim3A_104 = vector.shape_cast %reduce_max3A_103 : vector<4096xf32> to vector<1x4096xf32>
    %eq3A_105 = vector.broadcast %broadcast_in_dim3A_104 : vector<1x4096xf32> to vector<64x4096xf32>
    %eq3A_106 = arith.cmpf oeq, %sub3A_101, %eq3A_105 : vector<64x4096xf32>
    %jit3A_107 = arith.constant 6.400000e+01 : f32
    %broadcast_in_dim3A_108 = vector.broadcast %jit3A_107 : f32 to vector<64x4096xf32>
    %select_n3A_109 = arith.select %eq3A_106, %convert_element_type3A, %broadcast_in_dim3A_108 : vector<64x4096xi1>, vector<64x4096xf32>
    %reduce_min3A_110 = arith.constant dense<0x7F800000> : vector<4096xf32>
    %reduce_min3A_111 = vector.multi_reduction <minimumf>, %select_n3A_109, %reduce_min3A_110 [0] : vector<64x4096xf32> to vector<4096xf32>
    %broadcast_in_dim3A_112 = vector.shape_cast %reduce_min3A_111 : vector<4096xf32> to vector<1x4096xf32>
    %eq3A_113 = vector.broadcast %broadcast_in_dim3A_112 : vector<1x4096xf32> to vector<64x4096xf32>
    %eq3A_114 = arith.cmpf oeq, %convert_element_type3A, %eq3A_113 : vector<64x4096xf32>
    %convert_element_type3A_115 = arith.extui %eq3A_114 : vector<64x4096xi1> to vector<64x4096xi32>
    %convert_element_type3A_116 = arith.sitofp %convert_element_type3A_115 : vector<64x4096xi32> to vector<64x4096xf32>
    %mul3A_117 = arith.mulf %convert_element_type3A_116, %div3A_10 : vector<64x4096xf32>
    %reduce_sum3A_118 = arith.constant dense<0.000000e+00> : vector<4096xf32>
    %reduce_sum3A_119 = vector.multi_reduction <add>, %mul3A_117, %reduce_sum3A_118 [0] : vector<64x4096xf32> to vector<4096xf32>
    %broadcast_in_dim3A_120 = vector.shape_cast %reduce_sum3A_119 : vector<4096xf32> to vector<1x4096xf32>
    %mul3A_121 = arith.constant 3.000000e+38 : f32
    %mul3A_122 = vector.broadcast %mul3A_121 : f32 to vector<64x4096xf32>
    %mul3A_123 = arith.mulf %convert_element_type3A_116, %mul3A_122 : vector<64x4096xf32>
    %sub3A_124 = arith.subf %sub3A_101, %mul3A_123 : vector<64x4096xf32>
    %reduce_max3A_125 = arith.constant dense<0xFF800000> : vector<4096xf32>
    %reduce_max3A_126 = vector.multi_reduction <maximumf>, %sub3A_124, %reduce_max3A_125 [0] : vector<64x4096xf32> to vector<4096xf32>
    %broadcast_in_dim3A_127 = vector.shape_cast %reduce_max3A_126 : vector<4096xf32> to vector<1x4096xf32>
    %eq3A_128 = vector.broadcast %broadcast_in_dim3A_127 : vector<1x4096xf32> to vector<64x4096xf32>
    %eq3A_129 = arith.cmpf oeq, %sub3A_124, %eq3A_128 : vector<64x4096xf32>
    %jit3A_130 = arith.constant 6.400000e+01 : f32
    %broadcast_in_dim3A_131 = vector.broadcast %jit3A_130 : f32 to vector<64x4096xf32>
    %select_n3A_132 = arith.select %eq3A_129, %convert_element_type3A, %broadcast_in_dim3A_131 : vector<64x4096xi1>, vector<64x4096xf32>
    %reduce_min3A_133 = arith.constant dense<0x7F800000> : vector<4096xf32>
    %reduce_min3A_134 = vector.multi_reduction <minimumf>, %select_n3A_132, %reduce_min3A_133 [0] : vector<64x4096xf32> to vector<4096xf32>
    %broadcast_in_dim3A_135 = vector.shape_cast %reduce_min3A_134 : vector<4096xf32> to vector<1x4096xf32>
    %eq3A_136 = vector.broadcast %broadcast_in_dim3A_135 : vector<1x4096xf32> to vector<64x4096xf32>
    %eq3A_137 = arith.cmpf oeq, %convert_element_type3A, %eq3A_136 : vector<64x4096xf32>
    %convert_element_type3A_138 = arith.extui %eq3A_137 : vector<64x4096xi1> to vector<64x4096xi32>
    %convert_element_type3A_139 = arith.sitofp %convert_element_type3A_138 : vector<64x4096xi32> to vector<64x4096xf32>
    %mul3A_140 = arith.mulf %convert_element_type3A_139, %div3A_10 : vector<64x4096xf32>
    %reduce_sum3A_141 = arith.constant dense<0.000000e+00> : vector<4096xf32>
    %reduce_sum3A_142 = vector.multi_reduction <add>, %mul3A_140, %reduce_sum3A_141 [0] : vector<64x4096xf32> to vector<4096xf32>
    %broadcast_in_dim3A_143 = vector.shape_cast %reduce_sum3A_142 : vector<4096xf32> to vector<1x4096xf32>
    %mul3A_144 = arith.constant 3.000000e+38 : f32
    %mul3A_145 = vector.broadcast %mul3A_144 : f32 to vector<64x4096xf32>
    %mul3A_146 = arith.mulf %convert_element_type3A_139, %mul3A_145 : vector<64x4096xf32>
    %sub3A_147 = arith.subf %sub3A_124, %mul3A_146 : vector<64x4096xf32>
    %reduce_max3A_148 = arith.constant dense<0xFF800000> : vector<4096xf32>
    %reduce_max3A_149 = vector.multi_reduction <maximumf>, %sub3A_147, %reduce_max3A_148 [0] : vector<64x4096xf32> to vector<4096xf32>
    %broadcast_in_dim3A_150 = vector.shape_cast %reduce_max3A_149 : vector<4096xf32> to vector<1x4096xf32>
    %eq3A_151 = vector.broadcast %broadcast_in_dim3A_150 : vector<1x4096xf32> to vector<64x4096xf32>
    %eq3A_152 = arith.cmpf oeq, %sub3A_147, %eq3A_151 : vector<64x4096xf32>
    %jit3A_153 = arith.constant 6.400000e+01 : f32
    %broadcast_in_dim3A_154 = vector.broadcast %jit3A_153 : f32 to vector<64x4096xf32>
    %select_n3A_155 = arith.select %eq3A_152, %convert_element_type3A, %broadcast_in_dim3A_154 : vector<64x4096xi1>, vector<64x4096xf32>
    %reduce_min3A_156 = arith.constant dense<0x7F800000> : vector<4096xf32>
    %reduce_min3A_157 = vector.multi_reduction <minimumf>, %select_n3A_155, %reduce_min3A_156 [0] : vector<64x4096xf32> to vector<4096xf32>
    %broadcast_in_dim3A_158 = vector.shape_cast %reduce_min3A_157 : vector<4096xf32> to vector<1x4096xf32>
    %eq3A_159 = vector.broadcast %broadcast_in_dim3A_158 : vector<1x4096xf32> to vector<64x4096xf32>
    %eq3A_160 = arith.cmpf oeq, %convert_element_type3A, %eq3A_159 : vector<64x4096xf32>
    %convert_element_type3A_161 = arith.extui %eq3A_160 : vector<64x4096xi1> to vector<64x4096xi32>
    %convert_element_type3A_162 = arith.sitofp %convert_element_type3A_161 : vector<64x4096xi32> to vector<64x4096xf32>
    %mul3A_163 = arith.mulf %convert_element_type3A_162, %div3A_10 : vector<64x4096xf32>
    %reduce_sum3A_164 = arith.constant dense<0.000000e+00> : vector<4096xf32>
    %reduce_sum3A_165 = vector.multi_reduction <add>, %mul3A_163, %reduce_sum3A_164 [0] : vector<64x4096xf32> to vector<4096xf32>
    %broadcast_in_dim3A_166 = vector.shape_cast %reduce_sum3A_165 : vector<4096xf32> to vector<1x4096xf32>
    %mul3A_167 = arith.constant 3.000000e+38 : f32
    %mul3A_168 = vector.broadcast %mul3A_167 : f32 to vector<64x4096xf32>
    %mul3A_169 = arith.mulf %convert_element_type3A_162, %mul3A_168 : vector<64x4096xf32>
    %sub3A_170 = arith.subf %sub3A_147, %mul3A_169 : vector<64x4096xf32>
    %reduce_max3A_171 = arith.constant dense<0xFF800000> : vector<4096xf32>
    %reduce_max3A_172 = vector.multi_reduction <maximumf>, %sub3A_170, %reduce_max3A_171 [0] : vector<64x4096xf32> to vector<4096xf32>
    %broadcast_in_dim3A_173 = vector.shape_cast %reduce_max3A_172 : vector<4096xf32> to vector<1x4096xf32>
    %eq3A_174 = vector.broadcast %broadcast_in_dim3A_173 : vector<1x4096xf32> to vector<64x4096xf32>
    %eq3A_175 = arith.cmpf oeq, %sub3A_170, %eq3A_174 : vector<64x4096xf32>
    %jit3A_176 = arith.constant 6.400000e+01 : f32
    %broadcast_in_dim3A_177 = vector.broadcast %jit3A_176 : f32 to vector<64x4096xf32>
    %select_n3A_178 = arith.select %eq3A_175, %convert_element_type3A, %broadcast_in_dim3A_177 : vector<64x4096xi1>, vector<64x4096xf32>
    %reduce_min3A_179 = arith.constant dense<0x7F800000> : vector<4096xf32>
    %reduce_min3A_180 = vector.multi_reduction <minimumf>, %select_n3A_178, %reduce_min3A_179 [0] : vector<64x4096xf32> to vector<4096xf32>
    %broadcast_in_dim3A_181 = vector.shape_cast %reduce_min3A_180 : vector<4096xf32> to vector<1x4096xf32>
    %eq3A_182 = vector.broadcast %broadcast_in_dim3A_181 : vector<1x4096xf32> to vector<64x4096xf32>
    %eq3A_183 = arith.cmpf oeq, %convert_element_type3A, %eq3A_182 : vector<64x4096xf32>
    %convert_element_type3A_184 = arith.extui %eq3A_183 : vector<64x4096xi1> to vector<64x4096xi32>
    %convert_element_type3A_185 = arith.sitofp %convert_element_type3A_184 : vector<64x4096xi32> to vector<64x4096xf32>
    %mul3A_186 = arith.mulf %convert_element_type3A_185, %div3A_10 : vector<64x4096xf32>
    %reduce_sum3A_187 = arith.constant dense<0.000000e+00> : vector<4096xf32>
    %reduce_sum3A_188 = vector.multi_reduction <add>, %mul3A_186, %reduce_sum3A_187 [0] : vector<64x4096xf32> to vector<4096xf32>
    %broadcast_in_dim3A_189 = vector.shape_cast %reduce_sum3A_188 : vector<4096xf32> to vector<1x4096xf32>
    %concatenate3A = tpu.concatenate %broadcast_in_dim3A_28, %broadcast_in_dim3A_51, %broadcast_in_dim3A_74, %broadcast_in_dim3A_97, %broadcast_in_dim3A_120, %broadcast_in_dim3A_143, %broadcast_in_dim3A_166, %broadcast_in_dim3A_189 in 0 : vector<1x4096xf32>, vector<1x4096xf32>, vector<1x4096xf32>, vector<1x4096xf32>, vector<1x4096xf32>, vector<1x4096xf32>, vector<1x4096xf32>, vector<1x4096xf32> -> vector<8x4096xf32>
    %concatenate3A_190 = tpu.concatenate %broadcast_in_dim3A_21, %broadcast_in_dim3A_43, %broadcast_in_dim3A_66, %broadcast_in_dim3A_89, %broadcast_in_dim3A_112, %broadcast_in_dim3A_135, %broadcast_in_dim3A_158, %broadcast_in_dim3A_181 in 0 : vector<1x4096xf32>, vector<1x4096xf32>, vector<1x4096xf32>, vector<1x4096xf32>, vector<1x4096xf32>, vector<1x4096xf32>, vector<1x4096xf32>, vector<1x4096xf32> -> vector<8x4096xf32>
    %convert_element_type3A_191 = arith.fptosi %concatenate3A_190 : vector<8x4096xf32> to vector<8x4096xi32>
    %transpose3A = tpu.transpose %concatenate3A, [1, 0] : vector<8x4096xf32> -> vector<4096x8xf32>
    %swap3A = arith.constant 0 : index
    %swap3A_192 = arith.constant 0 : index
    %swap3A_193 = vector.load %arg4[%swap3A, %swap3A_192] : memref<4096x8xf32, #tpu.memory_space<vmem>>, vector<4096x8xf32>
    tpu.vector_store %arg4[%swap3A, %swap3A_192], %transpose3A {strides = array<i32>} : memref<4096x8xf32, #tpu.memory_space<vmem>>, vector<4096x8xf32>,
    %transpose3A_194 = tpu.transpose %convert_element_type3A_191, [1, 0] : vector<8x4096xi32> -> vector<4096x8xi32>
    %swap3A_195 = arith.constant 0 : index
    %swap3A_196 = arith.constant 0 : index
    %swap3A_197 = vector.load %arg5[%swap3A_195, %swap3A_196] : memref<4096x8xi32, #tpu.memory_space<vmem>>, vector<4096x8xi32>
    tpu.vector_store %arg5[%swap3A_195, %swap3A_196], %transpose3A_194 {strides = array<i32>} : memref<4096x8xi32, #tpu.memory_space<vmem>>, vector<4096x8xi32>,
    %reduce_sum3A_198 = arith.constant dense<0.000000e+00> : vector<64xf32>
    %reduce_sum3A_199 = vector.multi_reduction <add>, %div3A_10, %reduce_sum3A_198 [1] : vector<64x4096xf32> to vector<64xf32>
    %eq3A_200 = arith.constant 0 : i32
    %eq3A_201 = arith.cmpi eq, %arg0, %eq3A_200 : i32
    %convert_element_type3A_202 = arith.extui %eq3A_201 : i1 to i32
    %cond3A = arith.constant 0 : i32
    %cond3A_203 = arith.cmpi ne, %convert_element_type3A_202, %cond3A : i32
    scf.if %cond3A_203 {
      %broadcast_in_dim3A_217 = arith.constant 0.000000e+00 : f32
      %broadcast_in_dim3A_218 = vector.broadcast %broadcast_in_dim3A_217 : f32 to vector<1x64xf32>
      %swap3A_219 = arith.constant 0 : index
      %swap3A_220 = arith.constant 0 : index
      %swap3A_221 = vector.load %arg6[%swap3A_219, %swap3A_220] : memref<1x64xf32, #tpu.memory_space<vmem>>, vector<1x64xf32>
      tpu.vector_store %arg6[%swap3A_219, %swap3A_220], %broadcast_in_dim3A_218 {strides = array<i32>} : memref<1x64xf32, #tpu.memory_space<vmem>>, vector<1x64xf32>,
    } else {
    }
    %get3A_204 = arith.constant 0 : index
    %get3A_205 = arith.constant 0 : index
    %get3A_206 = vector.load %arg6[%get3A_204, %get3A_205] : memref<1x64xf32, #tpu.memory_space<vmem>>, vector<1x64xf32>
    %broadcast_in_dim3A_207 = vector.shape_cast %reduce_sum3A_199 : vector<64xf32> to vector<1x64xf32>
    %add3A_208 = arith.addf %get3A_206, %broadcast_in_dim3A_207 : vector<1x64xf32>
    %swap3A_209 = arith.constant 0 : index
    %swap3A_210 = arith.constant 0 : index
    %swap3A_211 = vector.load %arg6[%swap3A_209, %swap3A_210] : memref<1x64xf32, #tpu.memory_space<vmem>>, vector<1x64xf32>
    tpu.vector_store %arg6[%swap3A_209, %swap3A_210], %add3A_208 {strides = array<i32>} : memref<1x64xf32, #tpu.memory_space<vmem>>, vector<1x64xf32>,
    %eq3A_212 = arith.constant 7 : i32
    %eq3A_213 = arith.cmpi eq, %arg0, %eq3A_212 : i32
    %convert_element_type3A_214 = arith.extui %eq3A_213 : i1 to i32
    %cond3A_215 = arith.constant 0 : i32
    %cond3A_216 = arith.cmpi ne, %convert_element_type3A_214, %cond3A_215 : i32
    scf.if %cond3A_216 {
      %get3A_217 = arith.constant 0 : index
      %get3A_218 = arith.constant 0 : index
      %get3A_219 = vector.load %arg6[%get3A_217, %get3A_218] : memref<1x64xf32, #tpu.memory_space<vmem>>, vector<1x64xf32>
      %div3A_220 = arith.constant 3.276800e+04 : f32
      %div3A_221 = vector.broadcast %div3A_220 : f32 to vector<1x64xf32>
      %div3A_222 = arith.divf %get3A_219, %div3A_221 : vector<1x64xf32>
      %swap3A_223 = arith.constant 0 : index
      %swap3A_224 = arith.constant 0 : index
      %swap3A_225 = vector.load %arg6[%swap3A_223, %swap3A_224] : memref<1x64xf32, #tpu.memory_space<vmem>>, vector<1x64xf32>
      tpu.vector_store %arg6[%swap3A_223, %swap3A_224], %div3A_222 {strides = array<i32>} : memref<1x64xf32, #tpu.memory_space<vmem>>, vector<1x64xf32>,
    } else {
    }
    return
  }
  func.func @transform_0(%arg0: i32) -> (i32, i32) {
    %c0_i32 = arith.constant 0 : i32
    %c0_i32_0 = arith.constant 0 : i32
    return %arg0, %c0_i32 : i32, i32
  }
  func.func @transform_1(%arg0: i32) -> (i32, i32) {
    %c0_i32 = arith.constant 0 : i32
    %c0_i32_0 = arith.constant 0 : i32
    %c0_i32_1 = arith.constant 0 : i32
    return %c0_i32, %c0_i32_0 : i32, i32
  }
  func.func @transform_2(%arg0: i32) -> (i32, i32) {
    %c0_i32 = arith.constant 0 : i32
    %c0_i32_0 = arith.constant 0 : i32
    %c0_i32_1 = arith.constant 0 : i32
    return %c0_i32, %c0_i32_0 : i32, i32
  }
  func.func @transform_3(%arg0: i32) -> (i32, i32) {
    %c0_i32 = arith.constant 0 : i32
    %c0_i32_0 = arith.constant 0 : i32
    return %arg0, %c0_i32 : i32, i32
  }
  func.func @transform_4(%arg0: i32) -> (i32, i32) {
    %c0_i32 = arith.constant 0 : i32
    %c0_i32_0 = arith.constant 0 : i32
    return %arg0, %c0_i32 : i32, i32
  }
  func.func @transform_5(%arg0: i32) -> (i32, i32) {
    %c0_i32 = arith.constant 0 : i32
    %c0_i32_0 = arith.constant 0 : i32
    %c0_i32_1 = arith.constant 0 : i32
    return %c0_i32, %c0_i32_0 : i32, i32
  }
}

</mosaic_0001>

<sc_bundles>
// kernel: kernel.4.cloned.1.call-start
scs
__scs_entry_jumppad:
0x0: {  	(pc) =	sbr.rel $0x88, $3  }
0x1: {  	(tag) =	ssettag $0x0;
	lr =	simm.s32 $0x1  }
0x2: {  	[smem:$0x3F9E] =	sst lr;
	_ =	strace $0xD0000000  }
0x3: {  	_ = 	snop  }
0x4: {  	_ = 	snop  }
0x5: {  	_ = 	snop  }
0x6: {  	_ = 	snop  }
0x7: {  	_ = 	snop  }
__scs_overlays_trampoline_lowered:
0x8: {  	[smem:$0x3FAD] =	sst s0  }
0x9: {  	[smem:$0x3FAE] =	sst s1  }
0xa: {  	[smem:$0x3FAF] =	sst s2  }
0xb: {  	[smem:$0x3FB0] =	sst s3  }
0xc: {  	[smem:$0x3FB1] =	sst s4  }
0xd: {  	[smem:$0x3FB2] =	sst s5  }
0xe: {  	[smem:$0x3FB3] =	sst s6  }
0xf: {  	[smem:$0x3FB4] =	sst s7  }
0x10: {  	[smem:$0x3FB5] =	sst s8  }
0x11: {  	[smem:$0x3FB6] =	sst s9;
	s0 =	simm.s32 @!p0 $0x0  }
0x12: {  	s1 =	sld [smem:$0x3F9C];
	s0 =	simm.s32 @p0 $0x1  }
0x13: {  	[smem:$0x3FB7] =	sst s0;
	s0 =	simm.s32 @!p1 $0x0  }
0x14: {  	s2 =	sld [smem:$0x3F9B];
	s0 =	simm.s32 @p1 $0x1  }
0x15: {  	[smem:$0x3FB8] =	sst s0;
	s0 =	simm.s32 @!p2 $0x0  }
0x16: {  	s3 =	sld [smem:$0x3FDB];
	s0 =	simm.s32 @p2 $0x1  }
0x17: {  	s4 =	simm.s32 $0x1BF5;
	[smem:$0x3FBA] =	sst s0  }
0x18: {  	s0 =	sld [smem:$0x3F9D];
	_ =	swait.ge [sflag:s4], $0x0  }
0x19: {  	s7 =	sld [smem:$0x3F9E]  }
0x1a: {  	s8 =	sadd.s32 $0xFFFFE003, lr  }
0x1b: {  	s9 =	sadd.s32 $0xFFFFFEF7, lr;
	s5 =	simm.s32 $0xFFFFFFFF;
	p2 =	slt.u32 s8, $0xFFFFF086  }
0x1c: {  	p1 =	slt.u32 s9, $0xF7A;
	s5 =	simm.s32 @!p2 $0x0  }
0x1d: {  	s5 =	simm.s32 @p1 $0x1;
	p0 =	seq.s32 s7, s2  }
0x1e: {  	s7 =	smul.u32 @!p0 $0xF7A, s2;
	p2 =	seq.s32 @!p0 s5, $0x0  }
0x1f: {  	s9 =	smul.u32 $0xF7A, s1;
	s8 =	simm.s32 @!p0 $0x1BF5;
	p2 =	por !p2, p0  }
0x20: {  	[sflag:s8] =	ssyncset.s32 @!p0 $0xFFFFF086;
	s6 =	sadd.s32 @!p0 s3, s7;
	s7 =	simm.s32 @!p0 $0x108  }
0x21: {  	s3 =	sadd.s32 s3, s9;
	s6 =	sadd.s32 @!p0 $0x88, s6;
	s7 =	simm.s32 @p2 $0x1082  }
0x22: {  	[simem:s7], [sflag:s8] =	dma.local @!p0 [hbm:s6], $0xF7A  }
0x23: {  	s9 =	sor.u32 $0xD0000000, s2;
	s6 =	simm.s32 $0x108;
	_ =	swait.ge @!p0 [sflag:s8], $0x0  }
0x24: {  	s3 =	sadd.s32 $0x88, s3;
	s6 =	simm.s32 @!p1 $0x1082;
	[sflag:s4] =	ssyncset.s32 $0xFFFFF086  }
0x25: {  	[simem:s6], [sflag:s4] =	dma.local [hbm:s3], $0xF7A  }
0x26: {  	[smem:$0x3F9E] =	sst s1;
	(tag) =	ssettag s2;
	_ =	strace s9  }
0x27: {  	s1 =	sld [smem:$0x3FAE]  }
0x28: {  	s2 =	sld [smem:$0x3FAF]  }
0x29: {  	s4 =	sld [smem:$0x3FB1]  }
0x2a: {  	p0 =	seq.s32 s5, $0x0;
	s5 =	sld [smem:$0x3FB2]  }
0x2b: {  	s6 =	sld [smem:$0x3FB3]  }
0x2c: {  	s7 =	sld [smem:$0x3FB4]  }
0x2d: {  	s3 =	simm.s32 $0x108;
	s8 =	sld [smem:$0x3FB5]  }
0x2e: {  	s3 =	simm.s32 @!p0 $0x1082;
	s9 =	sld [smem:$0x3FB6]  }
0x2f: {  	lr =	sadd.s32 s0, s3;
	s0 =	sld [smem:$0x3FAD]  }
0x30: {  	s3 =	sld [smem:$0x3FB0]  }
0x31: {  	[smem:$0x3FB9] =	sst s10  }
0x32: {  	s10 =	sld [smem:$0x3FB7];
	_ =	sdelay $0x3  }
0x33: {  	p0 =	seq.s32 s10, $0x1;
	s10 =	sld [smem:$0x3FB9];
	_ =	sdelay $0x3  }
0x34: {  	[smem:$0x3FB9] =	sst s10  }
0x35: {  	s10 =	sld [smem:$0x3FB8];
	_ =	sdelay $0x3  }
0x36: {  	p1 =	seq.s32 s10, $0x1;
	s10 =	sld [smem:$0x3FB9];
	_ =	sdelay $0x3  }
0x37: {  	[smem:$0x3FB9] =	sst s10  }
0x38: {  	s10 =	sld [smem:$0x3FBA]  }
0x39: {  	_ = 	snop;
	(pc) =	sbr.ind lr, $3  }
0x3a: {  	_ = 	snop  }
0x3b: {  	_ = 	snop  }
0x3c: {  	p2 =	seq.s32 s10, $0x1;
	s10 =	sld [smem:$0x3FB9]  }
0x3d: {  	_ =	shalt  }
0x3e: {  	_ =	shalt  }
0x3f: {  	_ =	shalt  }
0x40: {  	_ =	shalt  }
0x41: {  	_ =	shalt  }
0x42: {  	_ =	shalt  }
0x43: {  	_ =	shalt  }
0x44: {  	_ =	shalt  }
0x45: {  	_ =	shalt  }
0x46: {  	_ =	shalt  }
0x47: {  	_ =	shalt  }
0x48: {  	_ =	shalt  }
0x49: {  	_ =	shalt  }
0x4a: {  	_ =	shalt  }
0x4b: {  	_ =	shalt  }
0x4c: {  	_ =	shalt  }
0x4d: {  	_ =	shalt  }
0x4e: {  	_ =	shalt  }
0x4f: {  	_ =	shalt  }
0x50: {  	_ =	shalt  }
0x51: {  	_ =	shalt  }
0x52: {  	_ =	shalt  }
0x53: {  	_ =	shalt  }
0x54: {  	_ =	shalt  }
0x55: {  	_ =	shalt  }
0x56: {  	_ =	shalt  }
0x57: {  	_ =	shalt  }
0x58: {  	_ =	shalt  }
0x59: {  	_ =	shalt  }
0x5a: {  	_ =	shalt  }
0x5b: {  	_ =	shalt  }
0x5c: {  	_ =	shalt  }
0x5d: {  	_ =	shalt  }
0x5e: {  	_ =	shalt  }
0x5f: {  	_ =	shalt  }
0x60: {  	_ =	shalt  }
0x61: {  	_ =	shalt  }
0x62: {  	_ =	shalt  }
0x63: {  	_ =	shalt  }
0x64: {  	_ =	shalt  }
0x65: {  	_ =	shalt  }
0x66: {  	_ =	shalt  }
0x67: {  	_ =	shalt  }
0x68: {  	_ =	shalt  }
0x69: {  	_ =	shalt  }
0x6a: {  	_ =	shalt  }
0x6b: {  	_ =	shalt  }
0x6c: {  	_ =	shalt  }
0x6d: {  	_ =	shalt  }
0x6e: {  	_ =	shalt  }
0x6f: {  	_ =	shalt  }
0x70: {  	_ =	shalt  }
0x71: {  	_ =	shalt  }
0x72: {  	_ =	shalt  }
0x73: {  	_ =	shalt  }
0x74: {  	_ =	shalt  }
0x75: {  	_ =	shalt  }
0x76: {  	_ =	shalt  }
0x77: {  	_ =	shalt  }
0x78: {  	_ =	shalt  }
0x79: {  	_ =	shalt  }
0x7a: {  	_ =	shalt  }
0x7b: {  	_ =	shalt  }
0x7c: {  	_ =	shalt  }
0x7d: {  	_ =	shalt  }
0x7e: {  	_ =	shalt  }
0x7f: {  	_ =	shalt  }
0x80: {  	_ =	shalt  }
0x81: {  	_ =	shalt  }
0x82: {  	_ =	shalt  }
0x83: {  	_ =	shalt  }
0x84: {  	_ =	shalt  }
0x85: {  	_ =	shalt  }
0x86: {  	_ =	shalt  }
0x87: {  	_ =	shalt  }
.Lfunc_end0:
.L_simem_size_0:
called_computation_lowered:
.L_overlay_start_0:
0x88: {  	s0 =	sld [smem:$0x3FD9]  }
0x89: {  	s1 =	sld [smem:$0x3FFE];
	_ =	sdelay $0x3  }
0x8a: {  	s0 =	sadd.s32 s1, s0  }
0x8b: {  	[smem:$0x3FC5] =	sst s0  }
0x8c: {  	_ = 	snop  }
0x8d: {  	s0 =	sld [smem:$0x3FD0];
	_ =	sdelay $0x2  }
0x8e: {  	s13 =	simm.s32 $0xA;
	s2 =	simm.s32 $0x10  }
0x8f: {  	[smem:s2], [sflag:s13] =	dma.local [hbm:s0], $0x1  }
0x90: {  	_ =	swait.eq [sflag:s13], $0x1  }
0x91: {  	[sflag:s13] =	ssyncset.done $0x0  }
0x92: {  	[sflag:s13] =	ssyncadd.s32 $0xFFFFFFFF  }
0x93: {  	s14 =	sld [smem:$0x12];
	(tm) =	ssettm $0x1  }
0x94: {  	s15 =	sld [smem:$0x3FFB];
	_ =	sdelay $0x3  }
0x95: {  	_ =	strace s15  }
0x96: {  	s1 =	sld [smem:$0x3FFC];
	_ =	sdelay $0x3  }
0x97: {  	_ =	strace s1  }
0x98: {  	s1 =	sld [smem:$0x3FFD];
	_ =	sdelay $0x3  }
0x99: {  	_ =	strace s1  }
0x9a: {  	_ =	strace $0x8FFFFFFF  }
0x9b: {  	s16 =	sld [smem:$0x3FDB];
	_ =	sdelay $0x1  }
0x9c: {  	s17 =	simm.s32 $_scs_section_size  }
0x9d: {  	s3 =	simm.s32 $_size__tile_overlayer_lowered;
	s4 =	simm.s32 $_tile_overlayer_lowered  }
0x9e: {  	s20 =	simm.s32 $0x1BFF;
	s19 =	sshll.u32 s4, $0x1;
	s1 =	sadd.s32 s17, s16  }
0x9f: {  	s5 =	simm.s32 $0x0;
	s18 =	sshll.u32 s3, $0x1;
	s3 =	sadd.s32 s19, s1  }
0xa0: {  	[timem:s5], [sflag:s20] =	dma.local [hbm:s3], s18  }
0xa1: {  	_ =	swait.ge [sflag:s20], s18  }
0xa2: {  	s2 =	ssub.s32 $0x0, s18;
	[sflag:s20] =	ssyncset.done $0x0  }
0xa3: {  	[sflag:s20] =	ssyncadd.s32 s2;
	_ =	sdelay $0x1  }
0xa4: {  	s21 =	simm.s32 $0x1B8B  }
0xa5: {  	_ =	swait.ge [sflag:s21], $0x1  }
0xa6: {  	[sflag:s21] =	ssyncset.done $0x0  }
0xa7: {  	s23 =	simm.s32 $0x1B8E;
	s22 =	sld [smem:$0x3FFE];
	[sflag:s21] =	ssyncadd.s32 $0xFFFFFFFF  }
0xa8: {  	s24 =	simm.s32 $execute0_lowered;
	[smem:$0x3FD2] =	sst s23  }
0xa9: {  	s3 =	sshll.u32 s24, $0x1;
	_ =	strace $0x80000046;
	[dreg:$0x1] =	wrdreg $0xFFFFFFFF  }
0xaa: {  	s25 =	simm.s32 $_size_execute0_lowered;
	s1 =	sadd.s32 s1, s3;
	[dreg:$0x0] =	wrdreg $0x0  }
0xab: {  	s3 =	sshll.u32 s25, $0x1;
	[dreg:$0x2] =	wrdreg s1  }
0xac: {  	[dreg:$0x3] =	wrdreg s3  }
0xad: {  	[dreg:$0x4] =	wrdreg $0xC0  }
0xae: {  	_ =	task [dreg:s5], $0x5FFFF  }
0xaf: {  	[dreg:$0x1] =	wrdreg $0xFFFFFFFF  }
0xb0: {  	[dreg:$0x0] =	wrdreg $0x60  }
0xb1: {  	[dreg:$0x2] =	wrdreg s22  }
0xb2: {  	[dreg:$0x3] =	wrdreg s14  }
0xb3: {  	[dreg:$0x4] =	wrdreg $0x44800  }
0xb4: {  	[dreg:$0x5] =	wrdreg $0x9  }
0xb5: {  	_ =	task.clear_ibuf [dreg:s5], $0x6FFFF;
	_ =	strace $0x90000046  }
0xb6: {  	s26 =	simm.s32 $0x9;
	_ =	strace $0x80000048  }
0xb7: {  	_ =	swait.ge [sflag:s26], $0x1  }
0xb8: {  	[sflag:s26] =	ssyncadd.s32 $0xFFFFFFFF  }
0xb9: {  	_ =	strace $0x90000048  }
0xba: {  	_ =	sfence  }
0xbb: {  	s28 =	sld [smem:$0x0];
	_ =	sdelay $0x1  }
0xbc: {  	s29 =	srdreg.scid  }
0xbd: {  	s30 =	sshll.u32 s29, $0xD;
	s31 =	sshrl.u32 s29, $0x2  }
0xbe: {  	s2 =	sand.u32 $0x4000, s30;
	s1 =	sand.u32 $0x1, s29;
	s0 =	sadd.s32 s31, s28  }
0xbf: {  	s1 =	sor.u32 s2, s1;
	s0 =	sshll.u32 s0, $0x11  }
0xc0: {  	s0 =	sor.u32 s0, s1  }
0xc1: {  	s0 =	sadd.s32 $0x8F2B, s0  }
0xc2: {  	[sflag:s0] =	ssyncadd.remote.s32 $0x1  }
0xc3: {  	_ =	sfence.sel $0xFFFF  }
0xc4: {  	[dreg:$0x0] =	wrdreg $0xFFFFFFFF;
	(pc) =	sbr.abs _section_cstart, $3  }
0xc5: {  	[dreg:$0x1] =	wrdreg $0xFFFFFFFF  }
0xc6: {  	_ =	task.clear_ibuf [dreg:s5], $0x2FFFF;
	_ =	strace $0x9FFFFFFF  }
0xc7: {  	(tm) =	ssettm $0x7FFFFFFF  }
tec
execute0_lowered:
.L_overlay_start_1:
0x0: {  	(tag) =	ssettag $0x1  }
0x1: {  	s2 =	rddreg [dreg:$0x0]  }
0x2: {  	s1 =	rddreg [dreg:$0x1]  }
0x3: {  	s4 =	rddreg [dreg:$0x2];
	s5 =	stileid.u32  }
0x4: {  	s0 =	rddreg [dreg:$0x3];
	s3 =	simm.s32 $0x0;
	s6 =	sshll.u32 s5, $0xB  }
0x5: {  	[smem:$0x7FF] =	sst s3;
	s2 =	sadd.s32 s6, s2  }
0x6: {  	s31 =	simm.s32 $0x1;
	_ =	strace $0x80000047;
	s2 =	sadd.s32 $0x80800, s2  }
0x7: {  	[tilespmem:s3], [sflag:$0x1] =	stream.linear.gather [hbm4b:s2+s3], $0x4000, $0x38;
	[tilespmem:$0x44C0] =	vst v63  }
0x8: {  	_ =	swait.ge [sflag:s31], $0x4000  }
0x9: {  	[sflag:s31] =	ssyncset.done $0x0  }
0xa: {  	v0 =	vimm.f32 $0.0e+00;
	[sflag:s31] =	ssyncadd.s32 $0xFFFFC000  }
0xb: {  	[tilespmem:$0x4000] =	vst v0  }
0xc: {  	[tilespmem:$0x4010] =	vst v0  }
0xd: {  	[tilespmem:$0x4020] =	vst v0  }
0xe: {  	s2 =	simm.s32 $0x40;
	[tilespmem:$0x4030] =	vst v0  }
0xf: {  	v2 =	vld [tilespmem:s2+$0xFFFFFFC0]  }
0x10: {  	v3 =	vld [tilespmem:s2+$0x30]  }
0x11: {  	v4 =	vld [tilespmem:s2+$0x20]  }
0x12: {  	v5 =	vld [tilespmem:s2+$0x10]  }
0x13: {  	v6 =	vld [tilespmem:s2+$0x0]  }
0x14: {  	v7 =	vld [tilespmem:s2+$0xFFFFFFF0]  }
0x15: {  	v8 =	vld [tilespmem:s2+$0xFFFFFFE0]  }
0x16: {  	s3 =	simm.s32 $0x4000;
	v0 =	vimm.f32 $1.000000000e+00;
	v1 =	vld [tilespmem:s2+$0xFFFFFFD0]  }
0x17: {  	[tilespmem:v2+s3+$0x0] =	vst.idx.add.f32.msk $0xffff, v0  }
0x18: {  	[tilespmem:v3+s3+$0x0] =	vst.idx.add.f32.msk $0xffff, v0  }
0x19: {  	[tilespmem:v4+s3+$0x0] =	vst.idx.add.f32.msk $0xffff, v0  }
0x1a: {  	[tilespmem:v5+s3+$0x0] =	vst.idx.add.f32.msk $0xffff, v0  }
0x1b: {  	[tilespmem:v6+s3+$0x0] =	vst.idx.add.f32.msk $0xffff, v0  }
0x1c: {  	[tilespmem:v7+s3+$0x0] =	vst.idx.add.f32.msk $0xffff, v0  }
0x1d: {  	s6 =	simm.s32 $0x0;
	[tilespmem:v8+s3+$0x0] =	vst.idx.add.f32.msk $0xffff, v0  }
.LBB2_1:
0x1e: {  	s6 =	sadd.s32 $0x80, s6;
	[tilespmem:v1+s3+$0x0] =	vst.idx.add.f32.msk $0xffff, v0;
	s2 =	sadd.s32 $0x80, s2  }
0x1f: {  	v2 =	vld [tilespmem:s2+$0xFFFFFFC0];
	p0 =	slt.u32 s6, $0x3F80  }
0x20: {  	v3 =	vld [tilespmem:s2+$0x30]  }
0x21: {  	v4 =	vld [tilespmem:s2+$0x20]  }
0x22: {  	v5 =	vld [tilespmem:s2+$0x10]  }
0x23: {  	v6 =	vld [tilespmem:s2+$0x0]  }
0x24: {  	v7 =	vld [tilespmem:s2+$0xFFFFFFF0]  }
0x25: {  	v8 =	vld [tilespmem:s2+$0xFFFFFFE0]  }
0x26: {  	v1 =	vld [tilespmem:s2+$0xFFFFFFD0]  }
0x27: {  	[tilespmem:v2+s3+$0x0] =	vst.idx.add.f32.msk $0xffff, v0  }
0x28: {  	[tilespmem:v3+s3+$0x0] =	vst.idx.add.f32.msk $0xffff, v0  }
.Ltmp0:
0x29: {  	[tilespmem:v4+s3+$0x0] =	vst.idx.add.f32.msk $0xffff, v0;
	(pc) =	sbr.rel @p0 .LBB2_1-.Ltmp0, $4  }
0x2a: {  	[tilespmem:v5+s3+$0x0] =	vst.idx.add.f32.msk $0xffff, v0  }
0x2b: {  	[tilespmem:v6+s3+$0x0] =	vst.idx.add.f32.msk $0xffff, v0  }
0x2c: {  	[tilespmem:v7+s3+$0x0] =	vst.idx.add.f32.msk $0xffff, v0  }
0x2d: {  	[tilespmem:v8+s3+$0x0] =	vst.idx.add.f32.msk $0xffff, v0  }
0x2e: {  	_ =	sdelay $0x2  }
0x2f: {  	s2 =	sshll.u32 s5, $0x6  }
0x30: {  	[tilespmem:v1+s3+$0x0] =	vst.idx.add.f32.msk $0xffff, v0;
	s3 =	simm.s32 $0x4000;
	s2 =	sadd.s32 s2, s4  }
0x31: {  	[spmem:s2] =	stream.linear.scatter [tilespmem:s3], [sflag:$0x1], $0x40, $0x38;
	[tilespmem:$0x44C0] =	vst v63  }
0x32: {  	s2 =	simm.s32 $0x1  }
0x33: {  	_ =	swait.ge [sflag:s2], $0x40  }
0x34: {  	[sflag:s2] =	ssyncset.done $0x0  }
0x35: {  	[sflag:s2] =	ssyncadd.s32 $0xFFFFFFC0  }
0x36: {  	p0 =	sne.s32 s5, $0x0;
	[bflag:$0x0] =	sbarrier.arrive $0xFFFF  }
0x37: {  	_ =	sfence.sel @p0 $0x180000  }
0x38: {  	[bflag:$0x0] =	sbarrier.arrive @p0 $0xFFFF  }
0x39: {  	_ =	strace @p0 $0x90000047  }
0x3a: {  	[bflag:$0x2] =	sbarrier.arrive @p0 $0xFFFF  }
0x3b: {  	_ =	shalt @p0  }
.LBB2_3:
0x3c: {  	s5 =	simm.s32 $0x4080  }
0x3d: {  	[tilespmem:s5], [sflag:$0x1] =	stream.linear.gather [spmem:s4], $0x400, $0x38;
	[tilespmem:$0x44C0] =	vst v63  }
0x3e: {  	_ =	swait.ge [sflag:s2], $0x400  }
0x3f: {  	[sflag:s2] =	ssyncset.done $0x0  }
0x40: {  	[sflag:s2] =	ssyncadd.s32 $0xFFFFFC00  }
0x41: {  	v0 =	vld [tilespmem:$0x4080]  }
0x42: {  	v1 =	vld [tilespmem:$0x40C0]  }
0x43: {  	v2 =	vld [tilespmem:$0x4100]  }
0x44: {  	v3 =	vld [tilespmem:$0x4140]  }
0x45: {  	v4 =	vld [tilespmem:$0x4180]  }
0x46: {  	v5 =	vld [tilespmem:$0x41C0]  }
0x47: {  	v6 =	vld [tilespmem:$0x4200]  }
0x48: {  	v7 =	vld [tilespmem:$0x4240]  }
0x49: {  	v8 =	vld [tilespmem:$0x4280]  }
0x4a: {  	v9 =	vld [tilespmem:$0x42C0]  }
0x4b: {  	v10 =	vld [tilespmem:$0x4300]  }
0x4c: {  	v11 =	vld [tilespmem:$0x4340]  }
0x4d: {  	v12 =	vld [tilespmem:$0x4380]  }
0x4e: {  	v13 =	vld [tilespmem:$0x43C0]  }
0x4f: {  	v14 =	vld [tilespmem:$0x4400]  }
0x50: {  	v15 =	vld [tilespmem:$0x4440]  }
0x51: {  	v16 =	vld [tilespmem:$0x4090]  }
0x52: {  	v17 =	vld [tilespmem:$0x40D0]  }
0x53: {  	v18 =	vld [tilespmem:$0x4110]  }
0x54: {  	v19 =	vld [tilespmem:$0x4150]  }
0x55: {  	v20 =	vld [tilespmem:$0x4190]  }
0x56: {  	v21 =	vld [tilespmem:$0x41D0]  }
0x57: {  	v22 =	vld [tilespmem:$0x4210]  }
0x58: {  	v23 =	vld [tilespmem:$0x4250]  }
0x59: {  	v24 =	vld [tilespmem:$0x4290]  }
0x5a: {  	v25 =	vld [tilespmem:$0x42D0]  }
0x5b: {  	v26 =	vld [tilespmem:$0x4310]  }
0x5c: {  	v27 =	vld [tilespmem:$0x4350]  }
0x5d: {  	v28 =	vld [tilespmem:$0x4390]  }
0x5e: {  	v29 =	vld [tilespmem:$0x43D0]  }
0x5f: {  	v30 =	vld [tilespmem:$0x4410]  }
0x60: {  	v31 =	vld [tilespmem:$0x4450]  }
0x61: {  	v32 =	vld [tilespmem:$0x40A0]  }
0x62: {  	v33 =	vld [tilespmem:$0x40B0]  }
0x63: {  	v34 =	vld [tilespmem:$0x40E0]  }
0x64: {  	v35 =	vld [tilespmem:$0x40F0];
	v0 =	vadd.f32 $0.0e+00, v0  }
0x65: {  	v36 =	vld [tilespmem:$0x4120];
	v16 =	vadd.f32 $0.0e+00, v16  }
0x66: {  	v59 =	vld [tilespmem:$0x4130];
	v58 =	vadd.f32 $0.0e+00, v32;
	v0 =	vadd.f32 v1, v0  }
0x67: {  	v60 =	vld [tilespmem:$0x4160];
	v33 =	vadd.f32 $0.0e+00, v33;
	v16 =	vadd.f32 v17, v16  }
0x68: {  	v61 =	vld [tilespmem:$0x4170];
	v1 =	vadd.f32 v34, v58;
	v0 =	vadd.f32 v2, v0  }
0x69: {  	v63 =	vld [tilespmem:$0x41A0];
	v62 =	vadd.f32 v35, v33;
	v16 =	vadd.f32 v18, v16  }
0x6a: {  	v1 =	vadd.f32 v36, v1;
	v36 =	vld [tilespmem:$0x41B0];
	v0 =	vadd.f32 v3, v0  }
0x6b: {  	v37 =	vld [tilespmem:$0x41E0];
	v18 =	vadd.f32 v59, v62;
	v16 =	vadd.f32 v19, v16  }
0x6c: {  	v38 =	vld [tilespmem:$0x41F0];
	v1 =	vadd.f32 v60, v1;
	v0 =	vadd.f32 v4, v0  }
0x6d: {  	v39 =	vld [tilespmem:$0x4220];
	v2 =	vadd.f32 v61, v18;
	v16 =	vadd.f32 v20, v16  }
0x6e: {  	v40 =	vld [tilespmem:$0x4230];
	v1 =	vadd.f32 v63, v1;
	v0 =	vadd.f32 v5, v0  }
0x6f: {  	v41 =	vld [tilespmem:$0x4260];
	v2 =	vadd.f32 v36, v2;
	v16 =	vadd.f32 v21, v16  }
0x70: {  	v42 =	vld [tilespmem:$0x4270];
	v1 =	vadd.f32 v37, v1;
	v0 =	vadd.f32 v6, v0  }
0x71: {  	v43 =	vld [tilespmem:$0x42A0];
	v2 =	vadd.f32 v38, v2;
	v16 =	vadd.f32 v22, v16  }
0x72: {  	v44 =	vld [tilespmem:$0x42B0];
	v1 =	vadd.f32 v39, v1;
	v0 =	vadd.f32 v7, v0  }
0x73: {  	v45 =	vld [tilespmem:$0x42E0];
	v2 =	vadd.f32 v40, v2;
	v16 =	vadd.f32 v23, v16  }
0x74: {  	v46 =	vld [tilespmem:$0x42F0];
	v1 =	vadd.f32 v41, v1;
	v0 =	vadd.f32 v8, v0  }
0x75: {  	v48 =	vld [tilespmem:$0x4320];
	v2 =	vadd.f32 v42, v2;
	v47 =	vadd.f32 v24, v16  }
0x76: {  	v49 =	vld [tilespmem:$0x4330];
	v1 =	vadd.f32 v43, v1;
	v0 =	vadd.f32 v9, v0  }
0x77: {  	v50 =	vld [tilespmem:$0x4360];
	v2 =	vadd.f32 v44, v2;
	v8 =	vadd.f32 v25, v47  }
0x78: {  	v51 =	vld [tilespmem:$0x4370];
	v1 =	vadd.f32 v45, v1;
	v0 =	vadd.f32 v10, v0  }
0x79: {  	v52 =	vld [tilespmem:$0x43A0];
	v2 =	vadd.f32 v46, v2;
	v8 =	vadd.f32 v26, v8  }
0x7a: {  	v53 =	vld [tilespmem:$0x43B0];
	v1 =	vadd.f32 v48, v1;
	v0 =	vadd.f32 v11, v0  }
0x7b: {  	v54 =	vld [tilespmem:$0x43E0];
	v2 =	vadd.f32 v49, v2;
	v8 =	vadd.f32 v27, v8  }
0x7c: {  	v55 =	vld [tilespmem:$0x43F0];
	v1 =	vadd.f32 v50, v1;
	v0 =	vadd.f32 v12, v0  }
0x7d: {  	v56 =	vld [tilespmem:$0x4420];
	v2 =	vadd.f32 v51, v2;
	v8 =	vadd.f32 v28, v8  }
0x7e: {  	v57 =	vld [tilespmem:$0x4430];
	v1 =	vadd.f32 v52, v1;
	v0 =	vadd.f32 v13, v0  }
0x7f: {  	v58 =	vld [tilespmem:$0x4460];
	v2 =	vadd.f32 v53, v2;
	v8 =	vadd.f32 v29, v8  }
0x80: {  	v59 =	vld [tilespmem:$0x4470];
	v1 =	vadd.f32 v54, v1;
	v0 =	vadd.f32 v14, v0  }
0x81: {  	v2 =	vadd.f32 v55, v2;
	v8 =	vadd.f32 v30, v8  }
0x82: {  	v1 =	vadd.f32 v56, v1;
	v0 =	vadd.f32 v15, v0  }
0x83: {  	v2 =	vadd.f32 v57, v2;
	v60 =	vadd.f32 v31, v8  }
0x84: {  	v1 =	vadd.f32 v58, v1;
	v0 =	vmul.f32 $2.441406250e-04, v0  }
0x85: {  	v2 =	vadd.f32 v59, v2;
	v61 =	vmul.f32 $2.441406250e-04, v60  }
0x86: {  	v62 =	vmul.f32 $2.441406250e-04, v1;
	[tilespmem:$0x4000] =	vst v0  }
0x87: {  	v63 =	vmul.f32 $2.441406250e-04, v2;
	[tilespmem:$0x4010] =	vst v61  }
0x88: {  	[tilespmem:$0x4020] =	vst v62  }
0x89: {  	s31 =	simm.s32 $0x0;
	[tilespmem:$0x4030] =	vst v63  }
0x8a: {  	[hbm4b:s1+s31] =	stream.linear.scatter [tilespmem:s3], [sflag:$0x1], $0x80, $0x38;
	[tilespmem:$0x44C0] =	vst v63  }
0x8b: {  	_ =	swait.ge [sflag:s2], $0x80  }
0x8c: {  	[sflag:s2] =	ssyncset.done $0x0  }
0x8d: {  	[sflag:s2] =	ssyncadd.s32 $0xFFFFFF80  }
0x8e: {  	_ =	sfence.sel $0x180000  }
0x8f: {  	[bflag:$0x0] =	sbarrier.arrive $0xFFFF  }
0x90: {  	_ =	strace $0x90000047  }
0x91: {  	s0 =	sadd.s32 $0x100000, s0;
	[bflag:$0x2] =	sbarrier.arrive $0xFFFF  }
0x92: {  	[sflag:s0] =	ssyncadd.tile.s32 $0x1;
	_ =	shalt  }
.Lfunc_end2:
_tile_overlayer_lowered:
.L_overlay_start_2:
0x93: {  	(tag) =	ssettag $0x2  }
0x94: {  	s0 =	rddreg [dreg:$0x0];
	s2 =	stileid.u32  }
0x95: {  	s1 =	rddreg [dreg:$0x1];
	p0 =	sne.s32 s2, $0x0  }
0x96: {  	s3 =	rddreg [dreg:$0x2];
	[bflag:$0x3] =	sbarrier.arrive $0xFFFF;
	s2 =	simm.s32 @!p0 $0x1C01  }
0x97: {  	[timem:s3], [sflag:s2] =	dma.local @!p0 [hbm:s0], s1  }
0x98: {  	s0 =	simm.s32 @!p0 $0x1  }
0x99: {  	_ =	swait.ge @!p0 [sflag:s0], s1  }
0x9a: {  	s1 =	ssub.s32 @!p0 $0x0, s1;
	[sflag:s0] =	ssyncset.done @!p0 $0x0  }
0x9b: {  	[sflag:s0] =	ssyncadd.s32 @!p0 s1  }
0x9c: {  	[bflag:$0x3] =	sbarrier.arrive $0xFFFF  }
0x9d: {  	_ =	shalt  }

</sc_bundles>
